<compile_context>
chip_gen: v7x
topology: tpu7x:2x2x1
jax: 0.10.2.dev20260603
libtpu: 0.0.44.dev20260713+nightly
codegen_flags: <defaults>
</compile_context>

<pallas_src>
import jax
import jax.numpy as jnp
from jax.experimental import pallas as pl

_B, _N, _G, _K, _OUT = 4, 65536, 256, 64, 1024
_BG = _B * _G
_RF, _CF = 256, 256
_TN = 8192
_TP2 = 64
_TP3 = 32
_F32 = jnp.float32


def _fps_kernel(x_ref, y_ref, z_ref, cent_ref):
    x = x_ref[0]
    y = y_ref[0]
    z = z_ref[0]
    ri = jax.lax.broadcasted_iota(jnp.int32, (_RF, _CF), 0)
    ci = jax.lax.broadcasted_iota(jnp.int32, (_RF, _CF), 1)
    lin = ri * _CF + ci
    gi = jax.lax.broadcasted_iota(jnp.int32, (1, _G), 1)

    def body(g, carry):
        dist, last, cx, cy, cz = carry
        r = last // _CF
        c = jax.lax.rem(last, _CF)
        sel = (ri == r) & (ci == c)
        lx = jnp.sum(jnp.where(sel, x, 0.0))
        ly = jnp.sum(jnp.where(sel, y, 0.0))
        lz = jnp.sum(jnp.where(sel, z, 0.0))
        gm = gi == g
        cx = jnp.where(gm, lx, cx)
        cy = jnp.where(gm, ly, cy)
        cz = jnp.where(gm, lz, cz)
        d = (x - lx) ** 2 + (y - ly) ** 2 + (z - lz) ** 2
        dist = jnp.minimum(dist, d)
        m = jnp.max(dist)
        nxt = jnp.min(jnp.where(dist == m, lin, jnp.int32(2147483647)))
        return dist, nxt, cx, cy, cz

    dist0 = jnp.full((_RF, _CF), 1e10, _F32)
    zg = jnp.zeros((1, _G), _F32)
    _, _, cx, cy, cz = jax.lax.fori_loop(
        0, _G, body, (dist0, jnp.int32(0), zg, zg, zg))
    cent_ref[0, 0:1, :] = cx
    cent_ref[0, 1:2, :] = cy
    cent_ref[0, 2:3, :] = cz


def _d2_kernel(pts_ref, cent_ref, d2_ref):
    px = pts_ref[0, 0:1, :]
    py = pts_ref[0, 1:2, :]
    pz = pts_ref[0, 2:3, :]
    cx = cent_ref[0, :, 0:1]
    cy = cent_ref[0, :, 1:2]
    cz = cent_ref[0, :, 2:3]
    d2_ref[0] = (cx - px) ** 2 + (cy - py) ** 2 + (cz - pz) ** 2


def _stat1_kernel(x_ref, w_ref, b_ref, s_ref, ss_ref):
    t = jnp.dot(x_ref[...], w_ref[...],
                preferred_element_type=_F32) + b_ref[...]

    @pl.when(pl.program_id(0) == 0)
    def _init():
        s_ref[...] = jnp.zeros_like(s_ref)
        ss_ref[...] = jnp.zeros_like(ss_ref)

    s_ref[...] += jnp.sum(t, axis=0, keepdims=True)
    ss_ref[...] += jnp.sum(t * t, axis=0, keepdims=True)


def _p2_kernel(x_ref, w1_ref, b1_ref, m1_ref, r1_ref, w2_ref, b2_ref,
               w3_ref, b3_ref, t3_ref, s_ref, ss_ref):
    t1 = jnp.dot(x_ref[...], w1_ref[...],
                 preferred_element_type=_F32) + b1_ref[...]
    h = jax.nn.relu((t1 - m1_ref[...]) * r1_ref[...])
    h2 = jnp.dot(h, w2_ref[...], preferred_element_type=_F32) + b2_ref[...]
    h3 = h2.reshape(_TP2, _K, 256)
    gmax = jnp.max(h3, axis=1, keepdims=True)
    hcat = jnp.concatenate([jnp.broadcast_to(gmax, h3.shape), h3], axis=-1)
    t3 = jnp.dot(hcat.reshape(_TP2 * _K, 512), w3_ref[...],
                 preferred_element_type=_F32) + b3_ref[...]
    t3_ref[...] = t3

    @pl.when(pl.program_id(0) == 0)
    def _init():
        s_ref[...] = jnp.zeros_like(s_ref)
        ss_ref[...] = jnp.zeros_like(ss_ref)

    s_ref[...] += jnp.sum(t3, axis=0, keepdims=True)
    ss_ref[...] += jnp.sum(t3 * t3, axis=0, keepdims=True)


def _p3_kernel(t3_ref, m3_ref, r3_ref, w4_ref, b4_ref, c_ref,
               wp1_ref, bp1_ref, wp2_ref, bp2_ref, out_ref):
    h = jax.nn.relu((t3_ref[...] - m3_ref[...]) * r3_ref[...])
    h4 = jnp.dot(h, w4_ref[...], preferred_element_type=_F32) + b4_ref[...]
    enc = jnp.max(h4.reshape(_TP3, _K, _OUT), axis=1)
    p = jnp.dot(c_ref[...], wp1_ref[...],
                preferred_element_type=_F32) + bp1_ref[...]
    p = 0.5 * p * (1.0 + jax.lax.erf(p * 0.7071067811865476))
    pe = jnp.dot(p, wp2_ref[...], preferred_element_type=_F32) + bp2_ref[...]
    out_ref[...] = enc + pe


def kernel(coords, features, W1, b1, W2, b2, W3, b3, W4, b4,
           Wp1, bp1, Wp2, bp2):
    del features
    ct = jnp.transpose(coords, (0, 2, 1))
    X = ct[:, 0, :].reshape(_B, _RF, _CF)
    Y = ct[:, 1, :].reshape(_B, _RF, _CF)
    Z = ct[:, 2, :].reshape(_B, _RF, _CF)

    cent = pl.pallas_call(
        _fps_kernel,
        grid=(_B,),
        in_specs=[pl.BlockSpec((1, _RF, _CF), lambda i: (i, 0, 0))] * 3,
        out_specs=pl.BlockSpec((1, 3, _G), lambda i: (i, 0, 0)),
        out_shape=jax.ShapeDtypeStruct((_B, 3, _G), _F32),
    )(X, Y, Z)
    centers = jnp.transpose(cent, (0, 2, 1))

    d2 = pl.pallas_call(
        _d2_kernel,
        grid=(_B, _N // _TN),
        in_specs=[
            pl.BlockSpec((1, 3, _TN), lambda i, j: (i, 0, j)),
            pl.BlockSpec((1, _G, 3), lambda i, j: (i, 0, 0)),
        ],
        out_specs=pl.BlockSpec((1, _G, _TN), lambda i, j: (i, 0, j)),
        out_shape=jax.ShapeDtypeStruct((_B, _G, _N), _F32),
    )(ct, centers)

    _, knn_idx = jax.lax.top_k(-d2, _K)

    flat = knn_idx.reshape(_B, _G * _K)
    gpts = jnp.take_along_axis(
        coords, jnp.broadcast_to(flat[:, :, None], (_B, _G * _K, 3)),
        axis=1).reshape(_B, _G, _K, 3)
    gcoords = (gpts - centers[:, :, None, :]).reshape(_BG * _K, 3)

    b1r = b1.reshape(1, -1)
    b2r = b2.reshape(1, -1)
    b3r = b3.reshape(1, -1)
    b4r = b4.reshape(1, -1)
    bp1r = bp1.reshape(1, -1)
    bp2r = bp2.reshape(1, -1)

    rows = _BG * _K
    tile1 = 8192
    s1, ss1 = pl.pallas_call(
        _stat1_kernel,
        grid=(rows // tile1,),
        in_specs=[
            pl.BlockSpec((tile1, 3), lambda i: (i, 0)),
            pl.BlockSpec((3, 128), lambda i: (0, 0)),
            pl.BlockSpec((1, 128), lambda i: (0, 0)),
        ],
        out_specs=[pl.BlockSpec((1, 128), lambda i: (0, 0))] * 2,
        out_shape=[jax.ShapeDtypeStruct((1, 128), _F32)] * 2,
    )(gcoords, W1, b1r)
    n1 = jnp.float32(rows)
    mean1 = s1 / n1
    var1 = ss1 / n1 - mean1 * mean1
    rstd1 = jax.lax.rsqrt(var1 + 1e-5)

    rows2 = _TP2 * _K
    t3, s3, ss3 = pl.pallas_call(
        _p2_kernel,
        grid=(_BG // _TP2,),
        in_specs=[
            pl.BlockSpec((rows2, 3), lambda i: (i, 0)),
            pl.BlockSpec((3, 128), lambda i: (0, 0)),
            pl.BlockSpec((1, 128), lambda i: (0, 0)),
            pl.BlockSpec((1, 128), lambda i: (0, 0)),
            pl.BlockSpec((1, 128), lambda i: (0, 0)),
            pl.BlockSpec((128, 256), lambda i: (0, 0)),
            pl.BlockSpec((1, 256), lambda i: (0, 0)),
            pl.BlockSpec((512, 512), lambda i: (0, 0)),
            pl.BlockSpec((1, 512), lambda i: (0, 0)),
        ],
        out_specs=[
            pl.BlockSpec((rows2, 512), lambda i: (i, 0)),
            pl.BlockSpec((1, 512), lambda i: (0, 0)),
            pl.BlockSpec((1, 512), lambda i: (0, 0)),
        ],
        out_shape=[
            jax.ShapeDtypeStruct((rows, 512), _F32),
            jax.ShapeDtypeStruct((1, 512), _F32),
            jax.ShapeDtypeStruct((1, 512), _F32),
        ],
    )(gcoords, W1, b1r, mean1, rstd1, W2, b2r, W3, b3r)
    mean3 = s3 / n1
    var3 = ss3 / n1 - mean3 * mean3
    rstd3 = jax.lax.rsqrt(var3 + 1e-5)

    rows3 = _TP3 * _K
    enc = pl.pallas_call(
        _p3_kernel,
        grid=(_BG // _TP3,),
        in_specs=[
            pl.BlockSpec((rows3, 512), lambda i: (i, 0)),
            pl.BlockSpec((1, 512), lambda i: (0, 0)),
            pl.BlockSpec((1, 512), lambda i: (0, 0)),
            pl.BlockSpec((512, _OUT), lambda i: (0, 0)),
            pl.BlockSpec((1, _OUT), lambda i: (0, 0)),
            pl.BlockSpec((_TP3, 3), lambda i: (i, 0)),
            pl.BlockSpec((3, 128), lambda i: (0, 0)),
            pl.BlockSpec((1, 128), lambda i: (0, 0)),
            pl.BlockSpec((128, _OUT), lambda i: (0, 0)),
            pl.BlockSpec((1, _OUT), lambda i: (0, 0)),
        ],
        out_specs=pl.BlockSpec((_TP3, _OUT), lambda i: (i, 0)),
        out_shape=jax.ShapeDtypeStruct((_BG, _OUT), _F32),
    )(t3, mean3, rstd3, W4, b4r, centers.reshape(_BG, 3),
      Wp1, bp1r, Wp2, bp2r)

    return enc.reshape(_B, _G, _OUT)

# --- scband reference (transcript-rebuilt; emitter-appended) ---
"""Pipeline reference for scband-pointcloud-embed-5987184411248 (READ-ONLY COPY).

The authoritative reference and input builder live on the scoring server;
editing this copy changes nothing except your own understanding.
"""

import jax, jax.numpy as jnp
import numpy as np

B, N, G, K, OUT, C_FEAT = 4, 65536, 256, 64, 1024, 6


def _lin_init(key, fan_in, fan_out):
    k1, k2 = jax.random.split(key)
    w = jax.random.normal(k1, (fan_in, fan_out), dtype=jnp.float32) / np.sqrt(fan_in)
    b = jnp.zeros((fan_out,), dtype=jnp.float32)
    return w, b


def setup_inputs(seed: int = 0):
    key = jax.random.key(seed)
    ks = jax.random.split(key, 10)
    coords = jax.random.normal(ks[0], (B, N, 3), dtype=jnp.float32)
    features = jax.random.normal(ks[1], (B, N, C_FEAT), dtype=jnp.float32)
    W1, b1 = _lin_init(ks[2], 3, 128)
    W2, b2 = _lin_init(ks[3], 128, 256)
    W3, b3 = _lin_init(ks[4], 512, 512)
    W4, b4 = _lin_init(ks[5], 512, OUT)
    Wp1, bp1 = _lin_init(ks[6], 3, 128)
    Wp2, bp2 = _lin_init(ks[7], 128, OUT)
    return {"coords": coords, "features": features, "W1": W1, "b1": b1, "W2": W2, "b2": b2, "W3": W3, "b3": b3, "W4": W4, "b4": b4, "Wp1": Wp1, "bp1": bp1, "Wp2": Wp2, "bp2": bp2}


def _fps(coords, g):
    b, n, _ = coords.shape
    dist0 = jnp.full((b, n), 1e10, dtype=jnp.float32)
    last0 = jnp.zeros((b,), dtype=jnp.int32)

    def step(state, _):
        dist, last = state
        last_pt = jnp.take_along_axis(coords, jnp.broadcast_to(last[:, None, None], (b, 1, 3)), axis=1)
        d = jnp.sum((coords - last_pt) ** 2, axis=-1)
        dist = jnp.minimum(dist, d)
        nxt = jnp.argmax(dist, axis=-1).astype(jnp.int32)
        return (dist, nxt), last

    _, idxs = jax.lax.scan(step, (dist0, last0), None, length=g)
    return jnp.transpose(idxs)


def _bn(x):
    axes = tuple(range(x.ndim - 1))
    mean = jnp.mean(x, axis=axes, keepdims=True)
    var = jnp.var(x, axis=axes, keepdims=True)
    return (x - mean) / jnp.sqrt(var + 1e-5)


def _gather_points(pts, idx):
    b = pts.shape[0]
    c = pts.shape[-1]
    flat = idx.reshape(b, -1)
    out = jnp.take_along_axis(pts, jnp.broadcast_to(flat[:, :, None], (b, flat.shape[1], c)), axis=1)
    return out.reshape(idx.shape + (c,))


def reference(coords, features, W1, b1, W2, b2, W3, b3, W4, b4, Wp1, bp1, Wp2, bp2):
    b = coords.shape[0]
    # KNNGrouper: FPS centers + KNN grouping
    fps_idx = _fps(coords, G)
    centers = _gather_points(coords, fps_idx)  # [B,G,3]
    d2 = jnp.sum((centers[:, :, None, :] - coords[:, None, :, :]) ** 2, axis=-1)  # [B,G,N]
    _, knn_idx = jax.lax.top_k(-d2, K)  # [B,G,K]
    g_coords = _gather_points(coords, knn_idx) - centers[:, :, None, :]  # centralized local coords
    g_feats = _gather_points(features, knn_idx)
    grouped = jnp.concatenate([g_coords, g_feats], axis=-1)  # [B,G,K,3+C]
    patch_features = grouped[:, :, :, :3]
    # PatchEncoder (mini-PointNet): 3 -> 128 -> 256, global-max concat -> 512 -> 512 -> OUT, max-pool
    x = patch_features.reshape(b * G, K, 3)
    h = jax.nn.relu(_bn(x @ W1 + b1))
    h = h @ W2 + b2  # [BG,K,256]
    gmax = jnp.max(h, axis=1, keepdims=True)
    h = jnp.concatenate([jnp.broadcast_to(gmax, h.shape), h], axis=-1)  # [BG,K,512]
    h = jax.nn.relu(_bn(h @ W3 + b3))
    h = h @ W4 + b4
    enc = jnp.max(h, axis=1).reshape(b, G, OUT)
    # positional embedding of centers: Linear-GELU-Linear
    pe = jax.nn.gelu(centers @ Wp1 + bp1, approximate=False) @ Wp2 + bp2
    return enc + pe

if __name__ == "__main__":
    import jax
    _d = setup_inputs()
    print(jax.jit(kernel)(*tuple(_d.values())))

</pallas_src>

<mosaic_0001>
module attributes {stable_mosaic.version = 14 : i64} {
  func.func @_fps_kernel(%arg0: i32, %arg1: memref<1x256x256xf32, #tpu.memory_space<vmem>>, %arg2: memref<1x256x256xf32, #tpu.memory_space<vmem>>, %arg3: memref<1x256x256xf32, #tpu.memory_space<vmem>>, %arg4: memref<1x3x256xf32, #tpu.memory_space<vmem>>) attributes {dimension_semantics = [#tpu.dimension_semantics<arbitrary>], iteration_bounds = array<i64: 4>, scalar_prefetch = 0 : i64, scratch_operands = 0 : i64, tpu.core_type = #tpu.core_type<tc>, window_params = [{transform_indices = @transform_0, window_bounds = array<i64: 1, 256, 256>}, {transform_indices = @transform_1, window_bounds = array<i64: 1, 256, 256>}, {transform_indices = @transform_2, window_bounds = array<i64: 1, 256, 256>}, {transform_indices = @transform_3, window_bounds = array<i64: 1, 3, 256>}]} {
    %get3A = arith.constant 0 : index
    %get3A_0 = arith.constant 0 : index
    %get3A_1 = arith.constant 0 : index
    %get3A_2 = vector.load %arg1[%get3A, %get3A_0, %get3A_1] : memref<1x256x256xf32, #tpu.memory_space<vmem>>, vector<1x256x256xf32>
    %get3A_3 = vector.shape_cast %get3A_2 : vector<1x256x256xf32> to vector<256x256xf32>
    %get3A_4 = arith.constant 0 : index
    %get3A_5 = arith.constant 0 : index
    %get3A_6 = arith.constant 0 : index
    %get3A_7 = vector.load %arg2[%get3A_4, %get3A_5, %get3A_6] : memref<1x256x256xf32, #tpu.memory_space<vmem>>, vector<1x256x256xf32>
    %get3A_8 = vector.shape_cast %get3A_7 : vector<1x256x256xf32> to vector<256x256xf32>
    %get3A_9 = arith.constant 0 : index
    %get3A_10 = arith.constant 0 : index
    %get3A_11 = arith.constant 0 : index
    %get3A_12 = vector.load %arg3[%get3A_9, %get3A_10, %get3A_11] : memref<1x256x256xf32, #tpu.memory_space<vmem>>, vector<1x256x256xf32>
    %get3A_13 = vector.shape_cast %get3A_12 : vector<1x256x256xf32> to vector<256x256xf32>
    %iota3A = tpu.iota {dimensions = array<i32: 0>} : vector<256x256xi32>
    %iota3A_14 = tpu.iota {dimensions = array<i32: 1>} : vector<256x256xi32>
    %mul3A = arith.constant 256 : i32
    %mul3A_15 = vector.broadcast %mul3A : i32 to vector<256x256xi32>
    %mul3A_16 = arith.muli %iota3A, %mul3A_15 : vector<256x256xi32>
    %add3A = arith.addi %mul3A_16, %iota3A_14 : vector<256x256xi32>
    %iota3A_17 = tpu.iota {dimensions = array<i32: 1>} : vector<1x256xi32>
    %broadcast_in_dim3A = arith.constant 1.000000e+10 : f32
    %broadcast_in_dim3A_18 = vector.broadcast %broadcast_in_dim3A : f32 to vector<256x256xf32>
    %broadcast_in_dim3A_19 = arith.constant 0.000000e+00 : f32
    %broadcast_in_dim3A_20 = vector.broadcast %broadcast_in_dim3A_19 : f32 to vector<1x256xf32>
    %scan3A = arith.constant 0 : i32
    %scan3A_21 = arith.constant 0 : i32
    %scan3A_22 = arith.constant 256 : i32
    %scan3A_23 = arith.addi %scan3A_21, %scan3A_22 : i32
    %scan3A_24 = arith.constant 1 : i32
    %scan3A_25:5 = scf.for %scan3A_44 = %scan3A_21 to %scan3A_23 step %scan3A_24 iter_args(%scan3A_45 = %broadcast_in_dim3A_18, %scan3A_46 = %scan3A, %scan3A_47 = %broadcast_in_dim3A_20, %scan3A_48 = %broadcast_in_dim3A_20, %scan3A_49 = %broadcast_in_dim3A_20) -> (vector<256x256xf32>, i32, vector<1x256xf32>, vector<1x256xf32>, vector<1x256xf32>)  : i32 {
      %jit3A = arith.constant 256 : i32
      %div3A = arith.divsi %scan3A_46, %jit3A : i32
      %sign3A = arith.constant 0 : i32
      %sign3A_50 = arith.cmpi sgt, %scan3A_46, %sign3A : i32
      %sign3A_51 = arith.extui %sign3A_50 : i1 to i32
      %sign3A_52 = arith.constant 0 : i32
      %sign3A_53 = arith.cmpi slt, %scan3A_46, %sign3A_52 : i32
      %sign3A_54 = arith.extui %sign3A_53 : i1 to i32
      %sign3A_55 = arith.subi %sign3A_51, %sign3A_54 : i32
      %sign3A_56 = arith.constant 0 : i32
      %sign3A_57 = arith.cmpi sgt, %jit3A, %sign3A_56 : i32
      %sign3A_58 = arith.extui %sign3A_57 : i1 to i32
      %sign3A_59 = arith.constant 0 : i32
      %sign3A_60 = arith.cmpi slt, %jit3A, %sign3A_59 : i32
      %sign3A_61 = arith.extui %sign3A_60 : i1 to i32
      %sign3A_62 = arith.subi %sign3A_58, %sign3A_61 : i32
      %ne3A = arith.cmpi ne, %sign3A_55, %sign3A_62 : i32
      %rem3A = arith.remsi %scan3A_46, %jit3A : i32
      %ne3A_63 = arith.constant 0 : i32
      %ne3A_64 = arith.cmpi ne, %rem3A, %ne3A_63 : i32
      %and3A = arith.andi %ne3A, %ne3A_64 : i1
      %sub3A = arith.constant 1 : i32
      %sub3A_65 = arith.subi %div3A, %sub3A : i32
      %select_n3A = arith.select %and3A, %sub3A_65, %div3A : i32
      %rem3A_66 = arith.constant 256 : i32
      %rem3A_67 = arith.remsi %scan3A_46, %rem3A_66 : i32
      %eq3A = vector.broadcast %select_n3A : i32 to vector<256x256xi32>
      %eq3A_68 = arith.cmpi eq, %iota3A, %eq3A : vector<256x256xi32>
      %eq3A_69 = vector.broadcast %rem3A_67 : i32 to vector<256x256xi32>
      %eq3A_70 = arith.cmpi eq, %iota3A_14, %eq3A_69 : vector<256x256xi32>
      %and3A_71 = arith.andi %eq3A_68, %eq3A_70 : vector<256x256xi1>
      %jit3A_72 = arith.constant 0.000000e+00 : f32
      %broadcast_in_dim3A_73 = vector.broadcast %jit3A_72 : f32 to vector<256x256xf32>
      %select_n3A_74 = arith.select %and3A_71, %get3A_3, %broadcast_in_dim3A_73 : vector<256x256xi1>, vector<256x256xf32>
      %reduce_sum3A = vector.shape_cast %select_n3A_74 : vector<256x256xf32> to vector<1x256x256xf32>
      %reduce_sum3A_75 = arith.constant dense<0.000000e+00> : vector<1xf32>
      %reduce_sum3A_76 = vector.multi_reduction <add>, %reduce_sum3A, %reduce_sum3A_75 [1, 2] : vector<1x256x256xf32> to vector<1xf32>
      %reduce_sum3A_77 = vector.shape_cast %reduce_sum3A_76 : vector<1xf32> to vector<1x1x1xf32>
      %reduce_sum3A_78 = vector.extract %reduce_sum3A_77[0, 0, 0] : f32 from vector<1x1x1xf32>
      %jit3A_79 = arith.constant 0.000000e+00 : f32
      %broadcast_in_dim3A_80 = vector.broadcast %jit3A_79 : f32 to vector<256x256xf32>
      %select_n3A_81 = arith.select %and3A_71, %get3A_8, %broadcast_in_dim3A_80 : vector<256x256xi1>, vector<256x256xf32>
      %reduce_sum3A_82 = vector.shape_cast %select_n3A_81 : vector<256x256xf32> to vector<1x256x256xf32>
      %reduce_sum3A_83 = arith.constant dense<0.000000e+00> : vector<1xf32>
      %reduce_sum3A_84 = vector.multi_reduction <add>, %reduce_sum3A_82, %reduce_sum3A_83 [1, 2] : vector<1x256x256xf32> to vector<1xf32>
      %reduce_sum3A_85 = vector.shape_cast %reduce_sum3A_84 : vector<1xf32> to vector<1x1x1xf32>
      %reduce_sum3A_86 = vector.extract %reduce_sum3A_85[0, 0, 0] : f32 from vector<1x1x1xf32>
      %jit3A_87 = arith.constant 0.000000e+00 : f32
      %broadcast_in_dim3A_88 = vector.broadcast %jit3A_87 : f32 to vector<256x256xf32>
      %select_n3A_89 = arith.select %and3A_71, %get3A_13, %broadcast_in_dim3A_88 : vector<256x256xi1>, vector<256x256xf32>
      %reduce_sum3A_90 = vector.shape_cast %select_n3A_89 : vector<256x256xf32> to vector<1x256x256xf32>
      %reduce_sum3A_91 = arith.constant dense<0.000000e+00> : vector<1xf32>
      %reduce_sum3A_92 = vector.multi_reduction <add>, %reduce_sum3A_90, %reduce_sum3A_91 [1, 2] : vector<1x256x256xf32> to vector<1xf32>
      %reduce_sum3A_93 = vector.shape_cast %reduce_sum3A_92 : vector<1xf32> to vector<1x1x1xf32>
      %reduce_sum3A_94 = vector.extract %reduce_sum3A_93[0, 0, 0] : f32 from vector<1x1x1xf32>
      %eq3A_95 = vector.broadcast %scan3A_44 : i32 to vector<1x256xi32>
      %eq3A_96 = arith.cmpi eq, %iota3A_17, %eq3A_95 : vector<1x256xi32>
      %broadcast_in_dim3A_97 = vector.broadcast %reduce_sum3A_78 : f32 to vector<1x256xf32>
      %select_n3A_98 = arith.select %eq3A_96, %broadcast_in_dim3A_97, %scan3A_47 : vector<1x256xi1>, vector<1x256xf32>
      %broadcast_in_dim3A_99 = vector.broadcast %reduce_sum3A_86 : f32 to vector<1x256xf32>
      %select_n3A_100 = arith.select %eq3A_96, %broadcast_in_dim3A_99, %scan3A_48 : vector<1x256xi1>, vector<1x256xf32>
      %broadcast_in_dim3A_101 = vector.broadcast %reduce_sum3A_94 : f32 to vector<1x256xf32>
      %select_n3A_102 = arith.select %eq3A_96, %broadcast_in_dim3A_101, %scan3A_49 : vector<1x256xi1>, vector<1x256xf32>
      %sub3A_103 = vector.broadcast %reduce_sum3A_78 : f32 to vector<256x256xf32>
      %sub3A_104 = arith.subf %get3A_3, %sub3A_103 : vector<256x256xf32>
      %integer_pow3A = arith.mulf %sub3A_104, %sub3A_104 : vector<256x256xf32>
      %sub3A_105 = vector.broadcast %reduce_sum3A_86 : f32 to vector<256x256xf32>
      %sub3A_106 = arith.subf %get3A_8, %sub3A_105 : vector<256x256xf32>
      %integer_pow3A_107 = arith.mulf %sub3A_106, %sub3A_106 : vector<256x256xf32>
      %add3A_108 = arith.addf %integer_pow3A, %integer_pow3A_107 : vector<256x256xf32>
      %sub3A_109 = vector.broadcast %reduce_sum3A_94 : f32 to vector<256x256xf32>
      %sub3A_110 = arith.subf %get3A_13, %sub3A_109 : vector<256x256xf32>
      %integer_pow3A_111 = arith.mulf %sub3A_110, %sub3A_110 : vector<256x256xf32>
      %add3A_112 = arith.addf %add3A_108, %integer_pow3A_111 : vector<256x256xf32>
      %min3A = arith.minimumf %scan3A_45, %add3A_112 : vector<256x256xf32>
      %reduce_max3A = vector.shape_cast %min3A : vector<256x256xf32> to vector<1x256x256xf32>
      %reduce_max3A_113 = arith.constant dense<0xFF800000> : vector<1xf32>
      %reduce_max3A_114 = vector.multi_reduction <maximumf>, %reduce_max3A, %reduce_max3A_113 [1, 2] : vector<1x256x256xf32> to vector<1xf32>
      %reduce_max3A_115 = vector.shape_cast %reduce_max3A_114 : vector<1xf32> to vector<1x1x1xf32>
      %reduce_max3A_116 = vector.extract %reduce_max3A_115[0, 0, 0] : f32 from vector<1x1x1xf32>
      %eq3A_117 = vector.broadcast %reduce_max3A_116 : f32 to vector<256x256xf32>
      %eq3A_118 = arith.cmpf oeq, %min3A, %eq3A_117 : vector<256x256xf32>
      %jit3A_119 = arith.constant 2147483647 : i32
      %broadcast_in_dim3A_120 = vector.broadcast %jit3A_119 : i32 to vector<256x256xi32>
      %select_n3A_121 = arith.select %eq3A_118, %add3A, %broadcast_in_dim3A_120 : vector<256x256xi1>, vector<256x256xi32>
      %reduce_min3A = vector.shape_cast %select_n3A_121 : vector<256x256xi32> to vector<1x256x256xi32>
      %reduce_min3A_122 = arith.constant dense<2147483647> : vector<1xi32>
      %reduce_min3A_123 = vector.multi_reduction <minsi>, %reduce_min3A, %reduce_min3A_122 [1, 2] : vector<1x256x256xi32> to vector<1xi32>
      %reduce_min3A_124 = vector.shape_cast %reduce_min3A_123 : vector<1xi32> to vector<1x1x1xi32>
      %reduce_min3A_125 = vector.extract %reduce_min3A_124[0, 0, 0] : i32 from vector<1x1x1xi32>
      scf.yield %min3A, %reduce_min3A_125, %select_n3A_98, %select_n3A_100, %select_n3A_102 : vector<256x256xf32>, i32, vector<1x256xf32>, vector<1x256xf32>, vector<1x256xf32>
    }
    %scan3A_26 = arith.constant 256 : i32
    %swap3A = arith.constant 0 : index
    %swap3A_27 = arith.constant 0 : index
    %swap3A_28 = arith.constant 0 : index
    %swap3A_29 = vector.load %arg4[%swap3A, %swap3A_27, %swap3A_28] : memref<1x3x256xf32, #tpu.memory_space<vmem>>, vector<1x1x256xf32>
    %swap3A_30 = vector.shape_cast %swap3A_29 : vector<1x1x256xf32> to vector<1x256xf32>
    %swap3A_31 = vector.shape_cast %scan3A_25#2 : vector<1x256xf32> to vector<1x1x256xf32>
    tpu.vector_store %arg4[%swap3A, %swap3A_27, %swap3A_28], %swap3A_31 {strides = array<i32>} : memref<1x3x256xf32, #tpu.memory_space<vmem>>, vector<1x1x256xf32>,
    %swap3A_32 = arith.constant 0 : index
    %swap3A_33 = arith.constant 1 : index
    %swap3A_34 = arith.constant 0 : index
    %swap3A_35 = vector.load %arg4[%swap3A_32, %swap3A_33, %swap3A_34] : memref<1x3x256xf32, #tpu.memory_space<vmem>>, vector<1x1x256xf32>
    %swap3A_36 = vector.shape_cast %swap3A_35 : vector<1x1x256xf32> to vector<1x256xf32>
    %swap3A_37 = vector.shape_cast %scan3A_25#3 : vector<1x256xf32> to vector<1x1x256xf32>
    tpu.vector_store %arg4[%swap3A_32, %swap3A_33, %swap3A_34], %swap3A_37 {strides = array<i32>} : memref<1x3x256xf32, #tpu.memory_space<vmem>>, vector<1x1x256xf32>,
    %swap3A_38 = arith.constant 0 : index
    %swap3A_39 = arith.constant 2 : index
    %swap3A_40 = arith.constant 0 : index
    %swap3A_41 = vector.load %arg4[%swap3A_38, %swap3A_39, %swap3A_40] : memref<1x3x256xf32, #tpu.memory_space<vmem>>, vector<1x1x256xf32>
    %swap3A_42 = vector.shape_cast %swap3A_41 : vector<1x1x256xf32> to vector<1x256xf32>
    %swap3A_43 = vector.shape_cast %scan3A_25#4 : vector<1x256xf32> to vector<1x1x256xf32>
    tpu.vector_store %arg4[%swap3A_38, %swap3A_39, %swap3A_40], %swap3A_43 {strides = array<i32>} : memref<1x3x256xf32, #tpu.memory_space<vmem>>, vector<1x1x256xf32>,
    return
  }
  func.func @transform_0(%arg0: i32) -> (i32, i32, i32) {
    %c0_i32 = arith.constant 0 : i32
    %c0_i32_0 = arith.constant 0 : i32
    %c0_i32_1 = arith.constant 0 : i32
    return %arg0, %c0_i32, %c0_i32_0 : i32, i32, i32
  }
  func.func @transform_1(%arg0: i32) -> (i32, i32, i32) {
    %c0_i32 = arith.constant 0 : i32
    %c0_i32_0 = arith.constant 0 : i32
    %c0_i32_1 = arith.constant 0 : i32
    return %arg0, %c0_i32, %c0_i32_0 : i32, i32, i32
  }
  func.func @transform_2(%arg0: i32) -> (i32, i32, i32) {
    %c0_i32 = arith.constant 0 : i32
    %c0_i32_0 = arith.constant 0 : i32
    %c0_i32_1 = arith.constant 0 : i32
    return %arg0, %c0_i32, %c0_i32_0 : i32, i32, i32
  }
  func.func @transform_3(%arg0: i32) -> (i32, i32, i32) {
    %c0_i32 = arith.constant 0 : i32
    %c0_i32_0 = arith.constant 0 : i32
    %c0_i32_1 = arith.constant 0 : i32
    return %arg0, %c0_i32, %c0_i32_0 : i32, i32, i32
  }
}

module attributes {stable_mosaic.version = 14 : i64} {
  func.func @_d2_kernel(%arg0: i32, %arg1: i32, %arg2: memref<1x3x8192xf32, #tpu.memory_space<vmem>>, %arg3: memref<1x256x3xf32, #tpu.memory_space<vmem>>, %arg4: memref<1x256x8192xf32, #tpu.memory_space<vmem>>) attributes {dimension_semantics = [#tpu.dimension_semantics<arbitrary>, #tpu.dimension_semantics<arbitrary>], iteration_bounds = array<i64: 4, 8>, scalar_prefetch = 0 : i64, scratch_operands = 0 : i64, tpu.core_type = #tpu.core_type<tc>, window_params = [{transform_indices = @transform_0, window_bounds = array<i64: 1, 3, 8192>}, {transform_indices = @transform_1, window_bounds = array<i64: 1, 256, 3>}, {transform_indices = @transform_2, window_bounds = array<i64: 1, 256, 8192>}]} {
    %get3A = arith.constant 0 : index
    %get3A_0 = arith.constant 0 : index
    %get3A_1 = arith.constant 0 : index
    %get3A_2 = vector.load %arg2[%get3A, %get3A_0, %get3A_1] : memref<1x3x8192xf32, #tpu.memory_space<vmem>>, vector<1x1x8192xf32>
    %get3A_3 = vector.shape_cast %get3A_2 : vector<1x1x8192xf32> to vector<1x8192xf32>
    %get3A_4 = arith.constant 0 : index
    %get3A_5 = arith.constant 1 : index
    %get3A_6 = arith.constant 0 : index
    %get3A_7 = vector.load %arg2[%get3A_4, %get3A_5, %get3A_6] : memref<1x3x8192xf32, #tpu.memory_space<vmem>>, vector<1x1x8192xf32>
    %get3A_8 = vector.shape_cast %get3A_7 : vector<1x1x8192xf32> to vector<1x8192xf32>
    %get3A_9 = arith.constant 0 : index
    %get3A_10 = arith.constant 2 : index
    %get3A_11 = arith.constant 0 : index
    %get3A_12 = vector.load %arg2[%get3A_9, %get3A_10, %get3A_11] : memref<1x3x8192xf32, #tpu.memory_space<vmem>>, vector<1x1x8192xf32>
    %get3A_13 = vector.shape_cast %get3A_12 : vector<1x1x8192xf32> to vector<1x8192xf32>
    %get3A_14 = arith.constant 0 : index
    %get3A_15 = arith.constant 0 : index
    %get3A_16 = arith.constant 0 : index
    %get3A_17 = vector.load %arg3[%get3A_14, %get3A_15, %get3A_16] : memref<1x256x3xf32, #tpu.memory_space<vmem>>, vector<1x256x1xf32>
    %get3A_18 = vector.shape_cast %get3A_17 : vector<1x256x1xf32> to vector<256x1xf32>
    %get3A_19 = arith.constant 0 : index
    %get3A_20 = arith.constant 0 : index
    %get3A_21 = arith.constant 1 : index
    %get3A_22 = vector.load %arg3[%get3A_19, %get3A_20, %get3A_21] : memref<1x256x3xf32, #tpu.memory_space<vmem>>, vector<1x256x1xf32>
    %get3A_23 = vector.shape_cast %get3A_22 : vector<1x256x1xf32> to vector<256x1xf32>
    %get3A_24 = arith.constant 0 : index
    %get3A_25 = arith.constant 0 : index
    %get3A_26 = arith.constant 2 : index
    %get3A_27 = vector.load %arg3[%get3A_24, %get3A_25, %get3A_26] : memref<1x256x3xf32, #tpu.memory_space<vmem>>, vector<1x256x1xf32>
    %get3A_28 = vector.shape_cast %get3A_27 : vector<1x256x1xf32> to vector<256x1xf32>
    %sub3A = vector.broadcast %get3A_18 : vector<256x1xf32> to vector<256x8192xf32>
    %sub3A_29 = vector.broadcast %get3A_3 : vector<1x8192xf32> to vector<256x8192xf32>
    %sub3A_30 = arith.subf %sub3A, %sub3A_29 : vector<256x8192xf32>
    %integer_pow3A = arith.mulf %sub3A_30, %sub3A_30 : vector<256x8192xf32>
    %sub3A_31 = vector.broadcast %get3A_23 : vector<256x1xf32> to vector<256x8192xf32>
    %sub3A_32 = vector.broadcast %get3A_8 : vector<1x8192xf32> to vector<256x8192xf32>
    %sub3A_33 = arith.subf %sub3A_31, %sub3A_32 : vector<256x8192xf32>
    %integer_pow3A_34 = arith.mulf %sub3A_33, %sub3A_33 : vector<256x8192xf32>
    %add3A = arith.addf %integer_pow3A, %integer_pow3A_34 : vector<256x8192xf32>
    %sub3A_35 = vector.broadcast %get3A_28 : vector<256x1xf32> to vector<256x8192xf32>
    %sub3A_36 = vector.broadcast %get3A_13 : vector<1x8192xf32> to vector<256x8192xf32>
    %sub3A_37 = arith.subf %sub3A_35, %sub3A_36 : vector<256x8192xf32>
    %integer_pow3A_38 = arith.mulf %sub3A_37, %sub3A_37 : vector<256x8192xf32>
    %add3A_39 = arith.addf %add3A, %integer_pow3A_38 : vector<256x8192xf32>
    %swap3A = arith.constant 0 : index
    %swap3A_40 = arith.constant 0 : index
    %swap3A_41 = arith.constant 0 : index
    %swap3A_42 = vector.load %arg4[%swap3A, %swap3A_40, %swap3A_41] : memref<1x256x8192xf32, #tpu.memory_space<vmem>>, vector<1x256x8192xf32>
    %swap3A_43 = vector.shape_cast %swap3A_42 : vector<1x256x8192xf32> to vector<256x8192xf32>
    %swap3A_44 = vector.shape_cast %add3A_39 : vector<256x8192xf32> to vector<1x256x8192xf32>
    tpu.vector_store %arg4[%swap3A, %swap3A_40, %swap3A_41], %swap3A_44 {strides = array<i32>} : memref<1x256x8192xf32, #tpu.memory_space<vmem>>, vector<1x256x8192xf32>,
    return
  }
  func.func @transform_0(%arg0: i32, %arg1: i32) -> (i32, i32, i32) {
    %c0_i32 = arith.constant 0 : i32
    %c0_i32_0 = arith.constant 0 : i32
    return %arg0, %c0_i32, %arg1 : i32, i32, i32
  }
  func.func @transform_1(%arg0: i32, %arg1: i32) -> (i32, i32, i32) {
    %c0_i32 = arith.constant 0 : i32
    %c0_i32_0 = arith.constant 0 : i32
    %c0_i32_1 = arith.constant 0 : i32
    return %arg0, %c0_i32, %c0_i32_0 : i32, i32, i32
  }
  func.func @transform_2(%arg0: i32, %arg1: i32) -> (i32, i32, i32) {
    %c0_i32 = arith.constant 0 : i32
    %c0_i32_0 = arith.constant 0 : i32
    return %arg0, %c0_i32, %arg1 : i32, i32, i32
  }
}

module attributes {stable_mosaic.version = 14 : i64} {
  func.func @_stat1_kernel(%arg0: i32, %arg1: memref<8192x3xf32, #tpu.memory_space<vmem>>, %arg2: memref<3x128xf32, #tpu.memory_space<vmem>>, %arg3: memref<1x128xf32, #tpu.memory_space<vmem>>, %arg4: memref<1x128xf32, #tpu.memory_space<vmem>>, %arg5: memref<1x128xf32, #tpu.memory_space<vmem>>) attributes {dimension_semantics = [#tpu.dimension_semantics<arbitrary>], iteration_bounds = array<i64: 8>, scalar_prefetch = 0 : i64, scratch_operands = 0 : i64, tpu.core_type = #tpu.core_type<tc>, window_params = [{transform_indices = @transform_0, window_bounds = array<i64: 8192, 3>}, {pipeline_mode = #tpu.pipeline_mode<synchronous>, transform_indices = @transform_1, window_bounds = array<i64: 3, 128>}, {pipeline_mode = #tpu.pipeline_mode<synchronous>, transform_indices = @transform_2, window_bounds = array<i64: 1, 128>}, {pipeline_mode = #tpu.pipeline_mode<synchronous>, transform_indices = @transform_3, window_bounds = array<i64: 1, 128>}, {pipeline_mode = #tpu.pipeline_mode<synchronous>, transform_indices = @transform_4, window_bounds = array<i64: 1, 128>}]} {
    %get3A = arith.constant 0 : index
    %get3A_0 = arith.constant 0 : index
    %get3A_1 = vector.load %arg1[%get3A, %get3A_0] : memref<8192x3xf32, #tpu.memory_space<vmem>>, vector<8192x3xf32>
    %get3A_2 = arith.constant 0 : index
    %get3A_3 = arith.constant 0 : index
    %get3A_4 = vector.load %arg2[%get3A_2, %get3A_3] : memref<3x128xf32, #tpu.memory_space<vmem>>, vector<3x128xf32>
    %dot_general3A = arith.constant dense<0.000000e+00> : vector<8192x128xf32>
    %dot_general3A_5 = tpu.matmul %get3A_1, %get3A_4, %dot_general3A {dimension_numbers = #tpu.dot_dimension_numbers<[1], [0], [0], [1], [0, 0, 1, 1], [], []>, transpose_lhs_hint = false} : vector<8192x3xf32>, vector<3x128xf32>, vector<8192x128xf32> -> vector<8192x128xf32>
    %get3A_6 = arith.constant 0 : index
    %get3A_7 = arith.constant 0 : index
    %get3A_8 = vector.load %arg3[%get3A_6, %get3A_7] : memref<1x128xf32, #tpu.memory_space<vmem>>, vector<1x128xf32>
    %add3A = vector.broadcast %get3A_8 : vector<1x128xf32> to vector<8192x128xf32>
    %add3A_9 = arith.addf %dot_general3A_5, %add3A : vector<8192x128xf32>
    %eq3A = arith.constant 0 : i32
    %eq3A_10 = arith.cmpi eq, %arg0, %eq3A : i32
    %convert_element_type3A = arith.extui %eq3A_10 : i1 to i32
    %cond3A = arith.constant 0 : i32
    %cond3A_11 = arith.cmpi ne, %convert_element_type3A, %cond3A : i32
    scf.if %cond3A_11 {
      %broadcast_in_dim3A_29 = arith.constant 0.000000e+00 : f32
      %broadcast_in_dim3A_30 = vector.broadcast %broadcast_in_dim3A_29 : f32 to vector<1x128xf32>
      %swap3A_31 = arith.constant 0 : index
      %swap3A_32 = arith.constant 0 : index
      %swap3A_33 = vector.load %arg4[%swap3A_31, %swap3A_32] : memref<1x128xf32, #tpu.memory_space<vmem>>, vector<1x128xf32>
      tpu.vector_store %arg4[%swap3A_31, %swap3A_32], %broadcast_in_dim3A_30 {strides = array<i32>} : memref<1x128xf32, #tpu.memory_space<vmem>>, vector<1x128xf32>,
      %broadcast_in_dim3A_34 = arith.constant 0.000000e+00 : f32
      %broadcast_in_dim3A_35 = vector.broadcast %broadcast_in_dim3A_34 : f32 to vector<1x128xf32>
      %swap3A_36 = arith.constant 0 : index
      %swap3A_37 = arith.constant 0 : index
      %swap3A_38 = vector.load %arg5[%swap3A_36, %swap3A_37] : memref<1x128xf32, #tpu.memory_space<vmem>>, vector<1x128xf32>
      tpu.vector_store %arg5[%swap3A_36, %swap3A_37], %broadcast_in_dim3A_35 {strides = array<i32>} : memref<1x128xf32, #tpu.memory_space<vmem>>, vector<1x128xf32>,
    } else {
    }
    %get3A_12 = arith.constant 0 : index
    %get3A_13 = arith.constant 0 : index
    %get3A_14 = vector.load %arg4[%get3A_12, %get3A_13] : memref<1x128xf32, #tpu.memory_space<vmem>>, vector<1x128xf32>
    %reduce_sum3A = arith.constant dense<0.000000e+00> : vector<128xf32>
    %reduce_sum3A_15 = vector.multi_reduction <add>, %add3A_9, %reduce_sum3A [0] : vector<8192x128xf32> to vector<128xf32>
    %broadcast_in_dim3A = vector.shape_cast %reduce_sum3A_15 : vector<128xf32> to vector<1x128xf32>
    %add3A_16 = arith.addf %get3A_14, %broadcast_in_dim3A : vector<1x128xf32>
    %swap3A = arith.constant 0 : index
    %swap3A_17 = arith.constant 0 : index
    %swap3A_18 = vector.load %arg4[%swap3A, %swap3A_17] : memref<1x128xf32, #tpu.memory_space<vmem>>, vector<1x128xf32>
    tpu.vector_store %arg4[%swap3A, %swap3A_17], %add3A_16 {strides = array<i32>} : memref<1x128xf32, #tpu.memory_space<vmem>>, vector<1x128xf32>,
    %get3A_19 = arith.constant 0 : index
    %get3A_20 = arith.constant 0 : index
    %get3A_21 = vector.load %arg5[%get3A_19, %get3A_20] : memref<1x128xf32, #tpu.memory_space<vmem>>, vector<1x128xf32>
    %mul3A = arith.mulf %add3A_9, %add3A_9 : vector<8192x128xf32>
    %reduce_sum3A_22 = arith.constant dense<0.000000e+00> : vector<128xf32>
    %reduce_sum3A_23 = vector.multi_reduction <add>, %mul3A, %reduce_sum3A_22 [0] : vector<8192x128xf32> to vector<128xf32>
    %broadcast_in_dim3A_24 = vector.shape_cast %reduce_sum3A_23 : vector<128xf32> to vector<1x128xf32>
    %add3A_25 = arith.addf %get3A_21, %broadcast_in_dim3A_24 : vector<1x128xf32>
    %swap3A_26 = arith.constant 0 : index
    %swap3A_27 = arith.constant 0 : index
    %swap3A_28 = vector.load %arg5[%swap3A_26, %swap3A_27] : memref<1x128xf32, #tpu.memory_space<vmem>>, vector<1x128xf32>
    tpu.vector_store %arg5[%swap3A_26, %swap3A_27], %add3A_25 {strides = array<i32>} : memref<1x128xf32, #tpu.memory_space<vmem>>, vector<1x128xf32>,
    return
  }
  func.func @transform_0(%arg0: i32) -> (i32, i32) {
    %c0_i32 = arith.constant 0 : i32
    %c0_i32_0 = arith.constant 0 : i32
    return %arg0, %c0_i32 : i32, i32
  }
  func.func @transform_1(%arg0: i32) -> (i32, i32) {
    %c0_i32 = arith.constant 0 : i32
    %c0_i32_0 = arith.constant 0 : i32
    %c0_i32_1 = arith.constant 0 : i32
    return %c0_i32, %c0_i32_0 : i32, i32
  }
  func.func @transform_2(%arg0: i32) -> (i32, i32) {
    %c0_i32 = arith.constant 0 : i32
    %c0_i32_0 = arith.constant 0 : i32
    %c0_i32_1 = arith.constant 0 : i32
    return %c0_i32, %c0_i32_0 : i32, i32
  }
  func.func @transform_3(%arg0: i32) -> (i32, i32) {
    %c0_i32 = arith.constant 0 : i32
    %c0_i32_0 = arith.constant 0 : i32
    %c0_i32_1 = arith.constant 0 : i32
    return %c0_i32, %c0_i32_0 : i32, i32
  }
  func.func @transform_4(%arg0: i32) -> (i32, i32) {
    %c0_i32 = arith.constant 0 : i32
    %c0_i32_0 = arith.constant 0 : i32
    %c0_i32_1 = arith.constant 0 : i32
    return %c0_i32, %c0_i32_0 : i32, i32
  }
}

module attributes {stable_mosaic.version = 14 : i64} {
  func.func @_p2_kernel(%arg0: i32, %arg1: memref<4096x3xf32, #tpu.memory_space<vmem>>, %arg2: memref<3x128xf32, #tpu.memory_space<vmem>>, %arg3: memref<1x128xf32, #tpu.memory_space<vmem>>, %arg4: memref<1x128xf32, #tpu.memory_space<vmem>>, %arg5: memref<1x128xf32, #tpu.memory_space<vmem>>, %arg6: memref<128x256xf32, #tpu.memory_space<vmem>>, %arg7: memref<1x256xf32, #tpu.memory_space<vmem>>, %arg8: memref<512x512xf32, #tpu.memory_space<vmem>>, %arg9: memref<1x512xf32, #tpu.memory_space<vmem>>, %arg10: memref<4096x512xf32, #tpu.memory_space<vmem>>, %arg11: memref<1x512xf32, #tpu.memory_space<vmem>>, %arg12: memref<1x512xf32, #tpu.memory_space<vmem>>) attributes {dimension_semantics = [#tpu.dimension_semantics<arbitrary>], iteration_bounds = array<i64: 16>, scalar_prefetch = 0 : i64, scratch_operands = 0 : i64, tpu.core_type = #tpu.core_type<tc>, window_params = [{transform_indices = @transform_0, window_bounds = array<i64: 4096, 3>}, {pipeline_mode = #tpu.pipeline_mode<synchronous>, transform_indices = @transform_1, window_bounds = array<i64: 3, 128>}, {pipeline_mode = #tpu.pipeline_mode<synchronous>, transform_indices = @transform_2, window_bounds = array<i64: 1, 128>}, {pipeline_mode = #tpu.pipeline_mode<synchronous>, transform_indices = @transform_3, window_bounds = array<i64: 1, 128>}, {pipeline_mode = #tpu.pipeline_mode<synchronous>, transform_indices = @transform_4, window_bounds = array<i64: 1, 128>}, {pipeline_mode = #tpu.pipeline_mode<synchronous>, transform_indices = @transform_5, window_bounds = array<i64: 128, 256>}, {pipeline_mode = #tpu.pipeline_mode<synchronous>, transform_indices = @transform_6, window_bounds = array<i64: 1, 256>}, {pipeline_mode = #tpu.pipeline_mode<synchronous>, transform_indices = @transform_7, window_bounds = array<i64: 512, 512>}, {pipeline_mode = #tpu.pipeline_mode<synchronous>, transform_indices = @transform_8, window_bounds = array<i64: 1, 512>}, {transform_indices = @transform_9, window_bounds = array<i64: 4096, 512>}, {pipeline_mode = #tpu.pipeline_mode<synchronous>, transform_indices = @transform_10, window_bounds = array<i64: 1, 512>}, {pipeline_mode = #tpu.pipeline_mode<synchronous>, transform_indices = @transform_11, window_bounds = array<i64: 1, 512>}]} {
    %get3A = arith.constant 0 : index
    %get3A_0 = arith.constant 0 : index
    %get3A_1 = vector.load %arg1[%get3A, %get3A_0] : memref<4096x3xf32, #tpu.memory_space<vmem>>, vector<4096x3xf32>
    %get3A_2 = arith.constant 0 : index
    %get3A_3 = arith.constant 0 : index
    %get3A_4 = vector.load %arg2[%get3A_2, %get3A_3] : memref<3x128xf32, #tpu.memory_space<vmem>>, vector<3x128xf32>
    %dot_general3A = arith.constant dense<0.000000e+00> : vector<4096x128xf32>
    %dot_general3A_5 = tpu.matmul %get3A_1, %get3A_4, %dot_general3A {dimension_numbers = #tpu.dot_dimension_numbers<[1], [0], [0], [1], [0, 0, 1, 1], [], []>, transpose_lhs_hint = false} : vector<4096x3xf32>, vector<3x128xf32>, vector<4096x128xf32> -> vector<4096x128xf32>
    %get3A_6 = arith.constant 0 : index
    %get3A_7 = arith.constant 0 : index
    %get3A_8 = vector.load %arg3[%get3A_6, %get3A_7] : memref<1x128xf32, #tpu.memory_space<vmem>>, vector<1x128xf32>
    %add3A = vector.broadcast %get3A_8 : vector<1x128xf32> to vector<4096x128xf32>
    %add3A_9 = arith.addf %dot_general3A_5, %add3A : vector<4096x128xf32>
    %get3A_10 = arith.constant 0 : index
    %get3A_11 = arith.constant 0 : index
    %get3A_12 = vector.load %arg4[%get3A_10, %get3A_11] : memref<1x128xf32, #tpu.memory_space<vmem>>, vector<1x128xf32>
    %sub3A = vector.broadcast %get3A_12 : vector<1x128xf32> to vector<4096x128xf32>
    %sub3A_13 = arith.subf %add3A_9, %sub3A : vector<4096x128xf32>
    %get3A_14 = arith.constant 0 : index
    %get3A_15 = arith.constant 0 : index
    %get3A_16 = vector.load %arg5[%get3A_14, %get3A_15] : memref<1x128xf32, #tpu.memory_space<vmem>>, vector<1x128xf32>
    %mul3A = vector.broadcast %get3A_16 : vector<1x128xf32> to vector<4096x128xf32>
    %mul3A_17 = arith.mulf %sub3A_13, %mul3A : vector<4096x128xf32>
    %max3A = arith.constant 0.000000e+00 : f32
    %max3A_18 = vector.broadcast %max3A : f32 to vector<4096x128xf32>
    %max3A_19 = arith.maximumf %mul3A_17, %max3A_18 : vector<4096x128xf32>
    %get3A_20 = arith.constant 0 : index
    %get3A_21 = arith.constant 0 : index
    %get3A_22 = vector.load %arg6[%get3A_20, %get3A_21] : memref<128x256xf32, #tpu.memory_space<vmem>>, vector<128x256xf32>
    %dot_general3A_23 = arith.constant dense<0.000000e+00> : vector<4096x256xf32>
    %dot_general3A_24 = tpu.matmul %max3A_19, %get3A_22, %dot_general3A_23 {dimension_numbers = #tpu.dot_dimension_numbers<[1], [0], [0], [1], [0, 0, 1, 1], [], []>, transpose_lhs_hint = false} : vector<4096x128xf32>, vector<128x256xf32>, vector<4096x256xf32> -> vector<4096x256xf32>
    %get3A_25 = arith.constant 0 : index
    %get3A_26 = arith.constant 0 : index
    %get3A_27 = vector.load %arg7[%get3A_25, %get3A_26] : memref<1x256xf32, #tpu.memory_space<vmem>>, vector<1x256xf32>
    %add3A_28 = vector.broadcast %get3A_27 : vector<1x256xf32> to vector<4096x256xf32>
    %add3A_29 = arith.addf %dot_general3A_24, %add3A_28 : vector<4096x256xf32>
    %reshape3A = vector.shape_cast %add3A_29 : vector<4096x256xf32> to vector<64x64x256xf32>
    %reduce_max3A = arith.constant dense<0xFF800000> : vector<64x256xf32>
    %reduce_max3A_30 = vector.multi_reduction <maximumf>, %reshape3A, %reduce_max3A [1] : vector<64x64x256xf32> to vector<64x256xf32>
    %broadcast_in_dim3A = vector.shape_cast %reduce_max3A_30 : vector<64x256xf32> to vector<64x1x256xf32>
    %broadcast_in_dim3A_31 = vector.shape_cast %broadcast_in_dim3A : vector<64x1x256xf32> to vector<64x1x256xf32>
    %broadcast_in_dim3A_32 = vector.broadcast %broadcast_in_dim3A_31 : vector<64x1x256xf32> to vector<64x64x256xf32>
    %concatenate3A = tpu.concatenate %broadcast_in_dim3A_32, %reshape3A in 2 : vector<64x64x256xf32>, vector<64x64x256xf32> -> vector<64x64x512xf32>
    %reshape3A_33 = vector.shape_cast %concatenate3A : vector<64x64x512xf32> to vector<4096x512xf32>
    %get3A_34 = arith.constant 0 : index
    %get3A_35 = arith.constant 0 : index
    %get3A_36 = vector.load %arg8[%get3A_34, %get3A_35] : memref<512x512xf32, #tpu.memory_space<vmem>>, vector<512x512xf32>
    %dot_general3A_37 = arith.constant dense<0.000000e+00> : vector<4096x512xf32>
    %dot_general3A_38 = tpu.matmul %reshape3A_33, %get3A_36, %dot_general3A_37 {dimension_numbers = #tpu.dot_dimension_numbers<[1], [0], [0], [1], [0, 0, 1, 1], [], []>, transpose_lhs_hint = false} : vector<4096x512xf32>, vector<512x512xf32>, vector<4096x512xf32> -> vector<4096x512xf32>
    %get3A_39 = arith.constant 0 : index
    %get3A_40 = arith.constant 0 : index
    %get3A_41 = vector.load %arg9[%get3A_39, %get3A_40] : memref<1x512xf32, #tpu.memory_space<vmem>>, vector<1x512xf32>
    %add3A_42 = vector.broadcast %get3A_41 : vector<1x512xf32> to vector<4096x512xf32>
    %add3A_43 = arith.addf %dot_general3A_38, %add3A_42 : vector<4096x512xf32>
    %swap3A = arith.constant 0 : index
    %swap3A_44 = arith.constant 0 : index
    %swap3A_45 = vector.load %arg10[%swap3A, %swap3A_44] : memref<4096x512xf32, #tpu.memory_space<vmem>>, vector<4096x512xf32>
    tpu.vector_store %arg10[%swap3A, %swap3A_44], %add3A_43 {strides = array<i32>} : memref<4096x512xf32, #tpu.memory_space<vmem>>, vector<4096x512xf32>,
    %eq3A = arith.constant 0 : i32
    %eq3A_46 = arith.cmpi eq, %arg0, %eq3A : i32
    %convert_element_type3A = arith.extui %eq3A_46 : i1 to i32
    %cond3A = arith.constant 0 : i32
    %cond3A_47 = arith.cmpi ne, %convert_element_type3A, %cond3A : i32
    scf.if %cond3A_47 {
      %broadcast_in_dim3A_68 = arith.constant 0.000000e+00 : f32
      %broadcast_in_dim3A_69 = vector.broadcast %broadcast_in_dim3A_68 : f32 to vector<1x512xf32>
      %swap3A_70 = arith.constant 0 : index
      %swap3A_71 = arith.constant 0 : index
      %swap3A_72 = vector.load %arg11[%swap3A_70, %swap3A_71] : memref<1x512xf32, #tpu.memory_space<vmem>>, vector<1x512xf32>
      tpu.vector_store %arg11[%swap3A_70, %swap3A_71], %broadcast_in_dim3A_69 {strides = array<i32>} : memref<1x512xf32, #tpu.memory_space<vmem>>, vector<1x512xf32>,
      %broadcast_in_dim3A_73 = arith.constant 0.000000e+00 : f32
      %broadcast_in_dim3A_74 = vector.broadcast %broadcast_in_dim3A_73 : f32 to vector<1x512xf32>
      %swap3A_75 = arith.constant 0 : index
      %swap3A_76 = arith.constant 0 : index
      %swap3A_77 = vector.load %arg12[%swap3A_75, %swap3A_76] : memref<1x512xf32, #tpu.memory_space<vmem>>, vector<1x512xf32>
      tpu.vector_store %arg12[%swap3A_75, %swap3A_76], %broadcast_in_dim3A_74 {strides = array<i32>} : memref<1x512xf32, #tpu.memory_space<vmem>>, vector<1x512xf32>,
    } else {
    }
    %get3A_48 = arith.constant 0 : index
    %get3A_49 = arith.constant 0 : index
    %get3A_50 = vector.load %arg11[%get3A_48, %get3A_49] : memref<1x512xf32, #tpu.memory_space<vmem>>, vector<1x512xf32>
    %reduce_sum3A = arith.constant dense<0.000000e+00> : vector<512xf32>
    %reduce_sum3A_51 = vector.multi_reduction <add>, %add3A_43, %reduce_sum3A [0] : vector<4096x512xf32> to vector<512xf32>
    %broadcast_in_dim3A_52 = vector.shape_cast %reduce_sum3A_51 : vector<512xf32> to vector<1x512xf32>
    %add3A_53 = arith.addf %get3A_50, %broadcast_in_dim3A_52 : vector<1x512xf32>
    %swap3A_54 = arith.constant 0 : index
    %swap3A_55 = arith.constant 0 : index
    %swap3A_56 = vector.load %arg11[%swap3A_54, %swap3A_55] : memref<1x512xf32, #tpu.memory_space<vmem>>, vector<1x512xf32>
    tpu.vector_store %arg11[%swap3A_54, %swap3A_55], %add3A_53 {strides = array<i32>} : memref<1x512xf32, #tpu.memory_space<vmem>>, vector<1x512xf32>,
    %get3A_57 = arith.constant 0 : index
    %get3A_58 = arith.constant 0 : index
    %get3A_59 = vector.load %arg12[%get3A_57, %get3A_58] : memref<1x512xf32, #tpu.memory_space<vmem>>, vector<1x512xf32>
    %mul3A_60 = arith.mulf %add3A_43, %add3A_43 : vector<4096x512xf32>
    %reduce_sum3A_61 = arith.constant dense<0.000000e+00> : vector<512xf32>
    %reduce_sum3A_62 = vector.multi_reduction <add>, %mul3A_60, %reduce_sum3A_61 [0] : vector<4096x512xf32> to vector<512xf32>
    %broadcast_in_dim3A_63 = vector.shape_cast %reduce_sum3A_62 : vector<512xf32> to vector<1x512xf32>
    %add3A_64 = arith.addf %get3A_59, %broadcast_in_dim3A_63 : vector<1x512xf32>
    %swap3A_65 = arith.constant 0 : index
    %swap3A_66 = arith.constant 0 : index
    %swap3A_67 = vector.load %arg12[%swap3A_65, %swap3A_66] : memref<1x512xf32, #tpu.memory_space<vmem>>, vector<1x512xf32>
    tpu.vector_store %arg12[%swap3A_65, %swap3A_66], %add3A_64 {strides = array<i32>} : memref<1x512xf32, #tpu.memory_space<vmem>>, vector<1x512xf32>,
    return
  }
  func.func @transform_0(%arg0: i32) -> (i32, i32) {
    %c0_i32 = arith.constant 0 : i32
    %c0_i32_0 = arith.constant 0 : i32
    return %arg0, %c0_i32 : i32, i32
  }
  func.func @transform_1(%arg0: i32) -> (i32, i32) {
    %c0_i32 = arith.constant 0 : i32
    %c0_i32_0 = arith.constant 0 : i32
    %c0_i32_1 = arith.constant 0 : i32
    return %c0_i32, %c0_i32_0 : i32, i32
  }
  func.func @transform_2(%arg0: i32) -> (i32, i32) {
    %c0_i32 = arith.constant 0 : i32
    %c0_i32_0 = arith.constant 0 : i32
    %c0_i32_1 = arith.constant 0 : i32
    return %c0_i32, %c0_i32_0 : i32, i32
  }
  func.func @transform_3(%arg0: i32) -> (i32, i32) {
    %c0_i32 = arith.constant 0 : i32
    %c0_i32_0 = arith.constant 0 : i32
    %c0_i32_1 = arith.constant 0 : i32
    return %c0_i32, %c0_i32_0 : i32, i32
  }
  func.func @transform_4(%arg0: i32) -> (i32, i32) {
    %c0_i32 = arith.constant 0 : i32
    %c0_i32_0 = arith.constant 0 : i32
    %c0_i32_1 = arith.constant 0 : i32
    return %c0_i32, %c0_i32_0 : i32, i32
  }
  func.func @transform_5(%arg0: i32) -> (i32, i32) {
    %c0_i32 = arith.constant 0 : i32
    %c0_i32_0 = arith.constant 0 : i32
    %c0_i32_1 = arith.constant 0 : i32
    return %c0_i32, %c0_i32_0 : i32, i32
  }
  func.func @transform_6(%arg0: i32) -> (i32, i32) {
    %c0_i32 = arith.constant 0 : i32
    %c0_i32_0 = arith.constant 0 : i32
    %c0_i32_1 = arith.constant 0 : i32
    return %c0_i32, %c0_i32_0 : i32, i32
  }
  func.func @transform_7(%arg0: i32) -> (i32, i32) {
    %c0_i32 = arith.constant 0 : i32
    %c0_i32_0 = arith.constant 0 : i32
    %c0_i32_1 = arith.constant 0 : i32
    return %c0_i32, %c0_i32_0 : i32, i32
  }
  func.func @transform_8(%arg0: i32) -> (i32, i32) {
    %c0_i32 = arith.constant 0 : i32
    %c0_i32_0 = arith.constant 0 : i32
    %c0_i32_1 = arith.constant 0 : i32
    return %c0_i32, %c0_i32_0 : i32, i32
  }
  func.func @transform_9(%arg0: i32) -> (i32, i32) {
    %c0_i32 = arith.constant 0 : i32
    %c0_i32_0 = arith.constant 0 : i32
    return %arg0, %c0_i32 : i32, i32
  }
  func.func @transform_10(%arg0: i32) -> (i32, i32) {
    %c0_i32 = arith.constant 0 : i32
    %c0_i32_0 = arith.constant 0 : i32
    %c0_i32_1 = arith.constant 0 : i32
    return %c0_i32, %c0_i32_0 : i32, i32
  }
  func.func @transform_11(%arg0: i32) -> (i32, i32) {
    %c0_i32 = arith.constant 0 : i32
    %c0_i32_0 = arith.constant 0 : i32
    %c0_i32_1 = arith.constant 0 : i32
    return %c0_i32, %c0_i32_0 : i32, i32
  }
}

module attributes {stable_mosaic.version = 14 : i64} {
  func.func @_p3_kernel(%arg0: i32, %arg1: memref<2048x512xf32, #tpu.memory_space<vmem>>, %arg2: memref<1x512xf32, #tpu.memory_space<vmem>>, %arg3: memref<1x512xf32, #tpu.memory_space<vmem>>, %arg4: memref<512x1024xf32, #tpu.memory_space<vmem>>, %arg5: memref<1x1024xf32, #tpu.memory_space<vmem>>, %arg6: memref<32x3xf32, #tpu.memory_space<vmem>>, %arg7: memref<3x128xf32, #tpu.memory_space<vmem>>, %arg8: memref<1x128xf32, #tpu.memory_space<vmem>>, %arg9: memref<128x1024xf32, #tpu.memory_space<vmem>>, %arg10: memref<1x1024xf32, #tpu.memory_space<vmem>>, %arg11: memref<32x1024xf32, #tpu.memory_space<vmem>>) attributes {dimension_semantics = [#tpu.dimension_semantics<arbitrary>], iteration_bounds = array<i64: 32>, scalar_prefetch = 0 : i64, scratch_operands = 0 : i64, tpu.core_type = #tpu.core_type<tc>, window_params = [{transform_indices = @transform_0, window_bounds = array<i64: 2048, 512>}, {pipeline_mode = #tpu.pipeline_mode<synchronous>, transform_indices = @transform_1, window_bounds = array<i64: 1, 512>}, {pipeline_mode = #tpu.pipeline_mode<synchronous>, transform_indices = @transform_2, window_bounds = array<i64: 1, 512>}, {pipeline_mode = #tpu.pipeline_mode<synchronous>, transform_indices = @transform_3, window_bounds = array<i64: 512, 1024>}, {pipeline_mode = #tpu.pipeline_mode<synchronous>, transform_indices = @transform_4, window_bounds = array<i64: 1, 1024>}, {transform_indices = @transform_5, window_bounds = array<i64: 32, 3>}, {pipeline_mode = #tpu.pipeline_mode<synchronous>, transform_indices = @transform_6, window_bounds = array<i64: 3, 128>}, {pipeline_mode = #tpu.pipeline_mode<synchronous>, transform_indices = @transform_7, window_bounds = array<i64: 1, 128>}, {pipeline_mode = #tpu.pipeline_mode<synchronous>, transform_indices = @transform_8, window_bounds = array<i64: 128, 1024>}, {pipeline_mode = #tpu.pipeline_mode<synchronous>, transform_indices = @transform_9, window_bounds = array<i64: 1, 1024>}, {transform_indices = @transform_10, window_bounds = array<i64: 32, 1024>}]} {
    %get3A = arith.constant 0 : index
    %get3A_0 = arith.constant 0 : index
    %get3A_1 = vector.load %arg1[%get3A, %get3A_0] : memref<2048x512xf32, #tpu.memory_space<vmem>>, vector<2048x512xf32>
    %get3A_2 = arith.constant 0 : index
    %get3A_3 = arith.constant 0 : index
    %get3A_4 = vector.load %arg2[%get3A_2, %get3A_3] : memref<1x512xf32, #tpu.memory_space<vmem>>, vector<1x512xf32>
    %sub3A = vector.broadcast %get3A_4 : vector<1x512xf32> to vector<2048x512xf32>
    %sub3A_5 = arith.subf %get3A_1, %sub3A : vector<2048x512xf32>
    %get3A_6 = arith.constant 0 : index
    %get3A_7 = arith.constant 0 : index
    %get3A_8 = vector.load %arg3[%get3A_6, %get3A_7] : memref<1x512xf32, #tpu.memory_space<vmem>>, vector<1x512xf32>
    %mul3A = vector.broadcast %get3A_8 : vector<1x512xf32> to vector<2048x512xf32>
    %mul3A_9 = arith.mulf %sub3A_5, %mul3A : vector<2048x512xf32>
    %max3A = arith.constant 0.000000e+00 : f32
    %max3A_10 = vector.broadcast %max3A : f32 to vector<2048x512xf32>
    %max3A_11 = arith.maximumf %mul3A_9, %max3A_10 : vector<2048x512xf32>
    %get3A_12 = arith.constant 0 : index
    %get3A_13 = arith.constant 0 : index
    %get3A_14 = vector.load %arg4[%get3A_12, %get3A_13] : memref<512x1024xf32, #tpu.memory_space<vmem>>, vector<512x1024xf32>
    %dot_general3A = arith.constant dense<0.000000e+00> : vector<2048x1024xf32>
    %dot_general3A_15 = tpu.matmul %max3A_11, %get3A_14, %dot_general3A {dimension_numbers = #tpu.dot_dimension_numbers<[1], [0], [0], [1], [0, 0, 1, 1], [], []>, transpose_lhs_hint = false} : vector<2048x512xf32>, vector<512x1024xf32>, vector<2048x1024xf32> -> vector<2048x1024xf32>
    %get3A_16 = arith.constant 0 : index
    %get3A_17 = arith.constant 0 : index
    %get3A_18 = vector.load %arg5[%get3A_16, %get3A_17] : memref<1x1024xf32, #tpu.memory_space<vmem>>, vector<1x1024xf32>
    %add3A = vector.broadcast %get3A_18 : vector<1x1024xf32> to vector<2048x1024xf32>
    %add3A_19 = arith.addf %dot_general3A_15, %add3A : vector<2048x1024xf32>
    %reshape3A = vector.shape_cast %add3A_19 : vector<2048x1024xf32> to vector<32x64x1024xf32>
    %reduce_max3A = arith.constant dense<0xFF800000> : vector<32x1024xf32>
    %reduce_max3A_20 = vector.multi_reduction <maximumf>, %reshape3A, %reduce_max3A [1] : vector<32x64x1024xf32> to vector<32x1024xf32>
    %get3A_21 = arith.constant 0 : index
    %get3A_22 = arith.constant 0 : index
    %get3A_23 = vector.load %arg6[%get3A_21, %get3A_22] : memref<32x3xf32, #tpu.memory_space<vmem>>, vector<32x3xf32>
    %get3A_24 = arith.constant 0 : index
    %get3A_25 = arith.constant 0 : index
    %get3A_26 = vector.load %arg7[%get3A_24, %get3A_25] : memref<3x128xf32, #tpu.memory_space<vmem>>, vector<3x128xf32>
    %dot_general3A_27 = arith.constant dense<0.000000e+00> : vector<32x128xf32>
    %dot_general3A_28 = tpu.matmul %get3A_23, %get3A_26, %dot_general3A_27 {dimension_numbers = #tpu.dot_dimension_numbers<[1], [0], [0], [1], [0, 0, 1, 1], [], []>, transpose_lhs_hint = false} : vector<32x3xf32>, vector<3x128xf32>, vector<32x128xf32> -> vector<32x128xf32>
    %get3A_29 = arith.constant 0 : index
    %get3A_30 = arith.constant 0 : index
    %get3A_31 = vector.load %arg8[%get3A_29, %get3A_30] : memref<1x128xf32, #tpu.memory_space<vmem>>, vector<1x128xf32>
    %add3A_32 = vector.broadcast %get3A_31 : vector<1x128xf32> to vector<32x128xf32>
    %add3A_33 = arith.addf %dot_general3A_28, %add3A_32 : vector<32x128xf32>
    %mul3A_34 = arith.constant 5.000000e-01 : f32
    %mul3A_35 = vector.broadcast %mul3A_34 : f32 to vector<32x128xf32>
    %mul3A_36 = arith.mulf %mul3A_35, %add3A_33 : vector<32x128xf32>
    %mul3A_37 = arith.constant 0.707106769 : f32
    %mul3A_38 = vector.broadcast %mul3A_37 : f32 to vector<32x128xf32>
    %mul3A_39 = arith.mulf %add3A_33, %mul3A_38 : vector<32x128xf32>
    %erf3A = math.erf %mul3A_39 : vector<32x128xf32>
    %add3A_40 = arith.constant 1.000000e+00 : f32
    %add3A_41 = vector.broadcast %add3A_40 : f32 to vector<32x128xf32>
    %add3A_42 = arith.addf %add3A_41, %erf3A : vector<32x128xf32>
    %mul3A_43 = arith.mulf %mul3A_36, %add3A_42 : vector<32x128xf32>
    %get3A_44 = arith.constant 0 : index
    %get3A_45 = arith.constant 0 : index
    %get3A_46 = vector.load %arg9[%get3A_44, %get3A_45] : memref<128x1024xf32, #tpu.memory_space<vmem>>, vector<128x1024xf32>
    %dot_general3A_47 = arith.constant dense<0.000000e+00> : vector<32x1024xf32>
    %dot_general3A_48 = tpu.matmul %mul3A_43, %get3A_46, %dot_general3A_47 {dimension_numbers = #tpu.dot_dimension_numbers<[1], [0], [0], [1], [0, 0, 1, 1], [], []>, transpose_lhs_hint = false} : vector<32x128xf32>, vector<128x1024xf32>, vector<32x1024xf32> -> vector<32x1024xf32>
    %get3A_49 = arith.constant 0 : index
    %get3A_50 = arith.constant 0 : index
    %get3A_51 = vector.load %arg10[%get3A_49, %get3A_50] : memref<1x1024xf32, #tpu.memory_space<vmem>>, vector<1x1024xf32>
    %add3A_52 = vector.broadcast %get3A_51 : vector<1x1024xf32> to vector<32x1024xf32>
    %add3A_53 = arith.addf %dot_general3A_48, %add3A_52 : vector<32x1024xf32>
    %add3A_54 = arith.addf %reduce_max3A_20, %add3A_53 : vector<32x1024xf32>
    %swap3A = arith.constant 0 : index
    %swap3A_55 = arith.constant 0 : index
    %swap3A_56 = vector.load %arg11[%swap3A, %swap3A_55] : memref<32x1024xf32, #tpu.memory_space<vmem>>, vector<32x1024xf32>
    tpu.vector_store %arg11[%swap3A, %swap3A_55], %add3A_54 {strides = array<i32>} : memref<32x1024xf32, #tpu.memory_space<vmem>>, vector<32x1024xf32>,
    return
  }
  func.func @transform_0(%arg0: i32) -> (i32, i32) {
    %c0_i32 = arith.constant 0 : i32
    %c0_i32_0 = arith.constant 0 : i32
    return %arg0, %c0_i32 : i32, i32
  }
  func.func @transform_1(%arg0: i32) -> (i32, i32) {
    %c0_i32 = arith.constant 0 : i32
    %c0_i32_0 = arith.constant 0 : i32
    %c0_i32_1 = arith.constant 0 : i32
    return %c0_i32, %c0_i32_0 : i32, i32
  }
  func.func @transform_2(%arg0: i32) -> (i32, i32) {
    %c0_i32 = arith.constant 0 : i32
    %c0_i32_0 = arith.constant 0 : i32
    %c0_i32_1 = arith.constant 0 : i32
    return %c0_i32, %c0_i32_0 : i32, i32
  }
  func.func @transform_3(%arg0: i32) -> (i32, i32) {
    %c0_i32 = arith.constant 0 : i32
    %c0_i32_0 = arith.constant 0 : i32
    %c0_i32_1 = arith.constant 0 : i32
    return %c0_i32, %c0_i32_0 : i32, i32
  }
  func.func @transform_4(%arg0: i32) -> (i32, i32) {
    %c0_i32 = arith.constant 0 : i32
    %c0_i32_0 = arith.constant 0 : i32
    %c0_i32_1 = arith.constant 0 : i32
    return %c0_i32, %c0_i32_0 : i32, i32
  }
  func.func @transform_5(%arg0: i32) -> (i32, i32) {
    %c0_i32 = arith.constant 0 : i32
    %c0_i32_0 = arith.constant 0 : i32
    return %arg0, %c0_i32 : i32, i32
  }
  func.func @transform_6(%arg0: i32) -> (i32, i32) {
    %c0_i32 = arith.constant 0 : i32
    %c0_i32_0 = arith.constant 0 : i32
    %c0_i32_1 = arith.constant 0 : i32
    return %c0_i32, %c0_i32_0 : i32, i32
  }
  func.func @transform_7(%arg0: i32) -> (i32, i32) {
    %c0_i32 = arith.constant 0 : i32
    %c0_i32_0 = arith.constant 0 : i32
    %c0_i32_1 = arith.constant 0 : i32
    return %c0_i32, %c0_i32_0 : i32, i32
  }
  func.func @transform_8(%arg0: i32) -> (i32, i32) {
    %c0_i32 = arith.constant 0 : i32
    %c0_i32_0 = arith.constant 0 : i32
    %c0_i32_1 = arith.constant 0 : i32
    return %c0_i32, %c0_i32_0 : i32, i32
  }
  func.func @transform_9(%arg0: i32) -> (i32, i32) {
    %c0_i32 = arith.constant 0 : i32
    %c0_i32_0 = arith.constant 0 : i32
    %c0_i32_1 = arith.constant 0 : i32
    return %c0_i32, %c0_i32_0 : i32, i32
  }
  func.func @transform_10(%arg0: i32) -> (i32, i32) {
    %c0_i32 = arith.constant 0 : i32
    %c0_i32_0 = arith.constant 0 : i32
    return %arg0, %c0_i32 : i32, i32
  }
}

</mosaic_0001>

<sc_bundles>
// kernel: gather_offload_async_start
scs
__scs_entry_jumppad:
0x0: {  	(pc) =	sbr.rel $0x88, $3  }
0x1: {  	(tag) =	ssettag $0x0;
	lr =	simm.s32 $0x1  }
0x2: {  	[smem:$0x3F94] =	sst lr;
	_ =	strace $0xD0000000  }
0x3: {  	_ = 	snop  }
0x4: {  	_ = 	snop  }
0x5: {  	_ = 	snop  }
0x6: {  	_ = 	snop  }
0x7: {  	_ = 	snop  }
__scs_overlays_trampoline_lowered:
0x8: {  	[smem:$0x3FA3] =	sst s0  }
0x9: {  	[smem:$0x3FA4] =	sst s1  }
0xa: {  	[smem:$0x3FA5] =	sst s2  }
0xb: {  	[smem:$0x3FA6] =	sst s3  }
0xc: {  	[smem:$0x3FA7] =	sst s4  }
0xd: {  	[smem:$0x3FA8] =	sst s5  }
0xe: {  	[smem:$0x3FA9] =	sst s6  }
0xf: {  	[smem:$0x3FAA] =	sst s7  }
0x10: {  	[smem:$0x3FAB] =	sst s8  }
0x11: {  	[smem:$0x3FAC] =	sst s9;
	s0 =	simm.s32 @!p0 $0x0  }
0x12: {  	s1 =	sld [smem:$0x3F92];
	s0 =	simm.s32 @p0 $0x1  }
0x13: {  	[smem:$0x3FAD] =	sst s0;
	s0 =	simm.s32 @!p1 $0x0  }
0x14: {  	s2 =	sld [smem:$0x3F91];
	s0 =	simm.s32 @p1 $0x1  }
0x15: {  	[smem:$0x3FAE] =	sst s0;
	s0 =	simm.s32 @!p2 $0x0  }
0x16: {  	s3 =	sld [smem:$0x3FDB];
	s0 =	simm.s32 @p2 $0x1  }
0x17: {  	s4 =	simm.s32 $0x1BF5;
	[smem:$0x3FB0] =	sst s0  }
0x18: {  	s0 =	sld [smem:$0x3F93];
	_ =	swait.ge [sflag:s4], $0x0  }
0x19: {  	s7 =	sld [smem:$0x3F94]  }
0x1a: {  	s8 =	sadd.s32 $0xFFFFE003, lr  }
0x1b: {  	s9 =	sadd.s32 $0xFFFFFEF7, lr;
	s5 =	simm.s32 $0xFFFFFFFF;
	p2 =	slt.u32 s8, $0xFFFFF086  }
0x1c: {  	p1 =	slt.u32 s9, $0xF7A;
	s5 =	simm.s32 @!p2 $0x0  }
0x1d: {  	s5 =	simm.s32 @p1 $0x1;
	p0 =	seq.s32 s7, s2  }
0x1e: {  	s7 =	smul.u32 @!p0 $0xF7A, s2;
	p2 =	seq.s32 @!p0 s5, $0x0  }
0x1f: {  	s9 =	smul.u32 $0xF7A, s1;
	s8 =	simm.s32 @!p0 $0x1BF5;
	p2 =	por !p2, p0  }
0x20: {  	[sflag:s8] =	ssyncset.s32 @!p0 $0xFFFFF086;
	s6 =	sadd.s32 @!p0 s3, s7;
	s7 =	simm.s32 @!p0 $0x108  }
0x21: {  	s3 =	sadd.s32 s3, s9;
	s6 =	sadd.s32 @!p0 $0x88, s6;
	s7 =	simm.s32 @p2 $0x1082  }
0x22: {  	[simem:s7], [sflag:s8] =	dma.local @!p0 [hbm:s6], $0xF7A  }
0x23: {  	s9 =	sor.u32 $0xD0000000, s2;
	s6 =	simm.s32 $0x108;
	_ =	swait.ge @!p0 [sflag:s8], $0x0  }
0x24: {  	s3 =	sadd.s32 $0x88, s3;
	s6 =	simm.s32 @!p1 $0x1082;
	[sflag:s4] =	ssyncset.s32 $0xFFFFF086  }
0x25: {  	[simem:s6], [sflag:s4] =	dma.local [hbm:s3], $0xF7A  }
0x26: {  	[smem:$0x3F94] =	sst s1;
	(tag) =	ssettag s2;
	_ =	strace s9  }
0x27: {  	s1 =	sld [smem:$0x3FA4]  }
0x28: {  	s2 =	sld [smem:$0x3FA5]  }
0x29: {  	s4 =	sld [smem:$0x3FA7]  }
0x2a: {  	p0 =	seq.s32 s5, $0x0;
	s5 =	sld [smem:$0x3FA8]  }
0x2b: {  	s6 =	sld [smem:$0x3FA9]  }
0x2c: {  	s7 =	sld [smem:$0x3FAA]  }
0x2d: {  	s3 =	simm.s32 $0x108;
	s8 =	sld [smem:$0x3FAB]  }
0x2e: {  	s3 =	simm.s32 @!p0 $0x1082;
	s9 =	sld [smem:$0x3FAC]  }
0x2f: {  	lr =	sadd.s32 s0, s3;
	s0 =	sld [smem:$0x3FA3]  }
0x30: {  	s3 =	sld [smem:$0x3FA6]  }
0x31: {  	[smem:$0x3FAF] =	sst s10  }
0x32: {  	s10 =	sld [smem:$0x3FAD];
	_ =	sdelay $0x3  }
0x33: {  	p0 =	seq.s32 s10, $0x1;
	s10 =	sld [smem:$0x3FAF];
	_ =	sdelay $0x3  }
0x34: {  	[smem:$0x3FAF] =	sst s10  }
0x35: {  	s10 =	sld [smem:$0x3FAE];
	_ =	sdelay $0x3  }
0x36: {  	p1 =	seq.s32 s10, $0x1;
	s10 =	sld [smem:$0x3FAF];
	_ =	sdelay $0x3  }
0x37: {  	[smem:$0x3FAF] =	sst s10  }
0x38: {  	s10 =	sld [smem:$0x3FB0]  }
0x39: {  	_ = 	snop;
	(pc) =	sbr.ind lr, $3  }
0x3a: {  	_ = 	snop  }
0x3b: {  	_ = 	snop  }
0x3c: {  	p2 =	seq.s32 s10, $0x1;
	s10 =	sld [smem:$0x3FAF]  }
0x3d: {  	_ =	shalt  }
0x3e: {  	_ =	shalt  }
0x3f: {  	_ =	shalt  }
0x40: {  	_ =	shalt  }
0x41: {  	_ =	shalt  }
0x42: {  	_ =	shalt  }
0x43: {  	_ =	shalt  }
0x44: {  	_ =	shalt  }
0x45: {  	_ =	shalt  }
0x46: {  	_ =	shalt  }
0x47: {  	_ =	shalt  }
0x48: {  	_ =	shalt  }
0x49: {  	_ =	shalt  }
0x4a: {  	_ =	shalt  }
0x4b: {  	_ =	shalt  }
0x4c: {  	_ =	shalt  }
0x4d: {  	_ =	shalt  }
0x4e: {  	_ =	shalt  }
0x4f: {  	_ =	shalt  }
0x50: {  	_ =	shalt  }
0x51: {  	_ =	shalt  }
0x52: {  	_ =	shalt  }
0x53: {  	_ =	shalt  }
0x54: {  	_ =	shalt  }
0x55: {  	_ =	shalt  }
0x56: {  	_ =	shalt  }
0x57: {  	_ =	shalt  }
0x58: {  	_ =	shalt  }
0x59: {  	_ =	shalt  }
0x5a: {  	_ =	shalt  }
0x5b: {  	_ =	shalt  }
0x5c: {  	_ =	shalt  }
0x5d: {  	_ =	shalt  }
0x5e: {  	_ =	shalt  }
0x5f: {  	_ =	shalt  }
0x60: {  	_ =	shalt  }
0x61: {  	_ =	shalt  }
0x62: {  	_ =	shalt  }
0x63: {  	_ =	shalt  }
0x64: {  	_ =	shalt  }
0x65: {  	_ =	shalt  }
0x66: {  	_ =	shalt  }
0x67: {  	_ =	shalt  }
0x68: {  	_ =	shalt  }
0x69: {  	_ =	shalt  }
0x6a: {  	_ =	shalt  }
0x6b: {  	_ =	shalt  }
0x6c: {  	_ =	shalt  }
0x6d: {  	_ =	shalt  }
0x6e: {  	_ =	shalt  }
0x6f: {  	_ =	shalt  }
0x70: {  	_ =	shalt  }
0x71: {  	_ =	shalt  }
0x72: {  	_ =	shalt  }
0x73: {  	_ =	shalt  }
0x74: {  	_ =	shalt  }
0x75: {  	_ =	shalt  }
0x76: {  	_ =	shalt  }
0x77: {  	_ =	shalt  }
0x78: {  	_ =	shalt  }
0x79: {  	_ =	shalt  }
0x7a: {  	_ =	shalt  }
0x7b: {  	_ =	shalt  }
0x7c: {  	_ =	shalt  }
0x7d: {  	_ =	shalt  }
0x7e: {  	_ =	shalt  }
0x7f: {  	_ =	shalt  }
0x80: {  	_ =	shalt  }
0x81: {  	_ =	shalt  }
0x82: {  	_ =	shalt  }
0x83: {  	_ =	shalt  }
0x84: {  	_ =	shalt  }
0x85: {  	_ =	shalt  }
0x86: {  	_ =	shalt  }
0x87: {  	_ =	shalt  }
.Lfunc_end0:
.L_simem_size_0:
called_computation.1_lowered:
.L_overlay_start_0:
0x88: {  	s2 =	sld [smem:$0x3FD9]  }
0x89: {  	s3 =	sld [smem:$0x3FFE];
	_ =	sdelay $0x1  }
0x8a: {  	s1 =	srdreg.scid  }
0x8b: {  	s0 =	sand.u32 $0x1, s1  }
0x8c: {  	s17 =	sshll.u32 s0, $0xA;
	s2 =	sadd.s32 s3, s2  }
0x8d: {  	s2 =	sadd.s32 s2, s17  }
0x8e: {  	[smem:$0x3FBB] =	sst s2  }
0x8f: {  	_ = 	snop  }
0x90: {  	s2 =	sld [smem:$0x3FC9]  }
0x91: {  	s18 =	sld [smem:$0x3FD0];
	(tm) =	ssettm $0x1  }
0x92: {  	s4 =	sld [smem:$0x3FFB];
	_ =	sdelay $0x3  }
0x93: {  	_ =	strace s4  }
0x94: {  	s4 =	sld [smem:$0x3FFC];
	_ =	sdelay $0x3  }
0x95: {  	_ =	strace s4  }
0x96: {  	s4 =	sld [smem:$0x3FFD];
	_ =	sdelay $0x3  }
0x97: {  	_ =	strace s4  }
0x98: {  	_ =	strace $0x8FFFFFFF  }
0x99: {  	s19 =	sld [smem:$0x3FDB];
	_ =	sdelay $0x1  }
0x9a: {  	s5 =	simm.s32 $_scs_section_size  }
0x9b: {  	s6 =	simm.s32 $_size__tile_overlayer_lowered;
	s7 =	simm.s32 $_tile_overlayer_lowered  }
0x9c: {  	s22 =	simm.s32 $0x1BFF;
	s21 =	sshll.u32 s7, $0x1;
	s4 =	sadd.s32 s5, s19  }
0x9d: {  	s8 =	simm.s32 $0x0;
	s20 =	sshll.u32 s6, $0x1;
	s6 =	sadd.s32 s21, s4  }
0x9e: {  	[timem:s8], [sflag:s22] =	dma.local [hbm:s6], s20  }
0x9f: {  	_ =	swait.ge [sflag:s22], s20  }
0xa0: {  	s5 =	ssub.s32 $0x0, s20;
	[sflag:s22] =	ssyncset.done $0x0  }
0xa1: {  	[sflag:s22] =	ssyncadd.s32 s5;
	_ =	sdelay $0x1  }
0xa2: {  	s23 =	simm.s32 $0x1B8B  }
0xa3: {  	_ =	swait.ge [sflag:s23], $0x1  }
0xa4: {  	[sflag:s23] =	ssyncset.done $0x0  }
0xa5: {  	s25 =	simm.s32 $0x1B8E;
	s24 =	sld [smem:$0x3FFE];
	[sflag:s23] =	ssyncadd.s32 $0xFFFFFFFF  }
0xa6: {  	s26 =	simm.s32 $execute0_lowered;
	[smem:$0x3FD2] =	sst s25  }
0xa7: {  	s6 =	sshll.u32 s26, $0x1;
	_ =	strace $0x80000049;
	[dreg:$0x1] =	wrdreg $0xFFFFFFFF  }
0xa8: {  	s28 =	simm.s32 $_size_execute0_lowered;
	s4 =	sadd.s32 s4, s6;
	[dreg:$0x0] =	wrdreg $0x0  }
0xa9: {  	s6 =	sshll.u32 s28, $0x1;
	[dreg:$0x2] =	wrdreg s4  }
0xaa: {  	[dreg:$0x3] =	wrdreg s6  }
0xab: {  	[dreg:$0x4] =	wrdreg $0xC0  }
0xac: {  	_ =	task [dreg:s8], $0x5FFFF  }
0xad: {  	[dreg:$0x1] =	wrdreg $0xFFFFFFFF  }
0xae: {  	[dreg:$0x0] =	wrdreg $0x60  }
0xaf: {  	[dreg:$0x2] =	wrdreg s2  }
0xb0: {  	[dreg:$0x3] =	wrdreg s18  }
0xb1: {  	[dreg:$0x4] =	wrdreg s24  }
0xb2: {  	[dreg:$0x5] =	wrdreg $0x9  }
0xb3: {  	_ =	task.clear_ibuf [dreg:s8], $0x6FFFF;
	_ =	strace $0x90000049  }
0xb4: {  	s29 =	simm.s32 $0x9;
	_ =	strace $0x8000004B  }
0xb5: {  	_ =	swait.ge [sflag:s29], $0x1  }
0xb6: {  	[sflag:s29] =	ssyncadd.s32 $0xFFFFFFFF  }
0xb7: {  	_ =	strace $0x9000004B  }
0xb8: {  	_ =	sfence  }
0xb9: {  	s30 =	sld [smem:$0x0];
	_ =	sdelay $0x2  }
0xba: {  	s31 =	sshll.u32 s1, $0xD;
	s1 =	sshrl.u32 s1, $0x2  }
0xbb: {  	s3 =	sand.u32 $0x4000, s31;
	s1 =	sadd.s32 s1, s30  }
0xbc: {  	s0 =	sor.u32 s3, s0;
	s1 =	sshll.u32 s1, $0x11  }
0xbd: {  	s0 =	sor.u32 s1, s0  }
0xbe: {  	s0 =	sadd.s32 $0x8F2B, s0  }
0xbf: {  	[sflag:s0] =	ssyncadd.remote.s32 $0x1  }
0xc0: {  	_ =	sfence.sel $0xFFFF  }
0xc1: {  	[dreg:$0x0] =	wrdreg $0xFFFFFFFF;
	(pc) =	sbr.abs _section_cstart, $3  }
0xc2: {  	[dreg:$0x1] =	wrdreg $0xFFFFFFFF  }
0xc3: {  	_ =	task.clear_ibuf [dreg:s8], $0x2FFFF;
	_ =	strace $0x9FFFFFFF  }
0xc4: {  	(tm) =	ssettm $0x7FFFFFFF  }
0xc5: {  	_ =	shalt  }
tec
execute0_lowered:
.L_overlay_start_1:
0x0: {  	(tag) =	ssettag $0x1  }
0x1: {  	s2 =	rddreg [dreg:$0x0]  }
0x2: {  	s1 =	srdreg.scid;
	s3 =	rddreg [dreg:$0x1]  }
0x3: {  	s0 =	stileid.u32;
	s5 =	rddreg [dreg:$0x2]  }
0x4: {  	s9 =	simm.s32 $0x1;
	s10 =	simm.s32 $0x3;
	s1 =	sshll.u32 s1, $0xC  }
0x5: {  	s13 =	simm.s32 $0x0;
	s4 =	sshll.u32 s0, $0xD;
	s6 =	sand.u32 $0x1000, s1  }
0x6: {  	s12 =	simm.s32 $0x0;
	s5 =	sadd.s32 $0x8C00, s5;
	s4 =	sor.u32 s4, s6  }
0x7: {  	s1 =	rddreg [dreg:$0x3];
	_ =	strace $0x8000004A;
	s8 =	ssub.s32 $0x30000, s4  }
.Ltmp0:
0x8: {  	s6 =	simm.s32 $0x1;
	s7 =	sand.u32 $0x1F000, s8;
	(pc) =	sbr.rel .LBB2_1-.Ltmp0, $4  }
0x9: {  	[sflag:s6] =	ssyncpa.u1 $0x0;
	s11 =	smov.u32 s4;
	p0 =	sne.s32 s7, $0x0  }
0xa: {  	s8 =	sshrl.u32 s8, $0x11;
	s7 =	simm.s32 $0x2;
	s9 =	simm.s32 @!p0 $0x0  }
0xb: {  	[sflag:s7] =	ssyncpa.u1 $0x0;
	p0 =	por $0x0, $0x0;
	s8 =	sadd.s32 s9, s8  }
0xc: {  	vm0 =	vmmov $0xffff;
	[sflag:s10] =	ssyncpa.u1 $0x0;
	s10 =	simm.s32 $0x0;
	s9 =	sadd.s32 $0x1, s8  }
.LBB2_4:
0xd: {  	vm1 =	veq.s32 v0, $0x80000000;
	v3 =	vand.u32 $0x3, v0;
	v62 =	vshll.u32 v0, $0x10  }
0xe: {  	v2 =	vand.u32 $0xFFFF, v2;
	v3 =	vsel vm1, $0xFFFFFFFF, v3;
	v0 =	vand.u32 $0xC0000, v62  }
0xf: {  	v0 =	vsel vm1, $0xFFFC0000, v0;
	v4 =	vand.u32 $0xFFFC0000, v3;
	v3 =	vshll.u32 v3, $0x7  }
0x10: {  	v2 =	vsel vm1, $0xFFFFFFFF, v2;
	v0 =	vadd.s32 v4, v0;
	v3 =	vand.u32 $0x180, v3  }
0x11: {  	v63 =	vand.u32 $0x7F, v2;
	v2 =	vshll.u32 v2, $0x2;
	v0 =	vor.u32 v3, v0  }
0x12: {  	v2 =	vand.u32 $0xFFFFFE00, v2;
	v0 =	vor.u32 v63, v0  }
0x13: {  	v0 =	vadd.s32 v2, v0;
	_ =	sdelay $0x1  }
0x14: {  	(ifvalue) =	ssetifvalue $0x7FFFFFFF;
	s14 =	sadd.s32 $0x10, s14  }
0x15: {  	[tilespmem:s14], [sflag:$0x1] =	stream.indirect_vreg.gather [hbm4b:s2+s10], $0x1, v1, vm0, $0x4038;
	[tilespmem:$0x4000] =	vst v63  }
0x16: {  	(ifvalue) =	ssetifvalue $0x7FFFFFFF;
	s14 =	sadd.s32 $0x10, s14  }
0x17: {  	[tilespmem:s14], [sflag:$0x1] =	stream.indirect_vreg.gather [hbm4b:s2+s10], $0x1, v0, vm0, $0x4038;
	[tilespmem:$0x4000] =	vst v63  }
0x18: {  	_ =	swait.ge [sflag:s6], $0x1000  }
0x19: {  	s30 =	sshrl.u32 s13, $0x3;
	[sflag:s6] =	ssyncset.done $0x0  }
0x1a: {  	s31 =	sand.u32 $0x7, s13;
	s14 =	sadd.s32 s5, s30;
	[sflag:s6] =	ssyncadd.s32 $0xFFFFF000  }
0x1b: {  	[hbm4b:s14+s31] =	stream.linear.scatter [tilespmem:s15], [sflag:$0x3], $0x1000, $0x38;
	[tilespmem:$0x4000] =	vst v63  }
.LBB2_5:
0x1c: {  	s15 =	sadd.s32 $0x20000, s11  }
0x1d: {  	p2 =	sgt.s32 s15, $0x2FFFF  }
0x1e: {  	s15 =	smov.u32 @p2 s4;
	p2 =	sne.s32 s12, s9  }
.Ltmp1:
0x1f: {  	p1 =	slt.u32 s12, $0x2;
	(pc) =	sbr.rel @!p2 .LBB2_6-.Ltmp1, $4  }
0x20: {  	s14 =	simm.s32 @!p1 $0x3  }
0x21: {  	s16 =	sadd.s32 $0x1, s12;
	_ =	swait.ge @!p1 [sflag:s14], $0x1000  }
0x22: {  	s13 =	smov.u32 s11;
	p0 =	por !p0, !p0;
	[sflag:s14] =	ssyncset.done @!p1 $0x0  }
0x23: {  	s12 =	smov.u32 s16;
	s11 =	smov.u32 s15;
	[sflag:s14] =	ssyncadd.s32 @!p1 $0xFFFFF000  }
.LBB2_1:
0x24: {  	p1 =	sge.u32 s12, s8  }
0x25: {  	s14 =	sxor.u32 @!p1 $0xFFFFFFFF, s12  }
0x26: {  	s31 =	sadd.s32 $0xFFFFFFFF, s12;
	s15 =	sshrl.u32 @!p1 s11, $0x3;
	s14 =	sshll.u32 @!p1 s14, $0xC  }
0x27: {  	s16 =	sand.u32 @!p1 $0x7, s11;
	s15 =	sadd.s32 @!p1 s3, s15;
	s14 =	sand.u32 @!p1 $0x1000, s14  }
0x28: {  	[tilespmem:s14], [sflag:$0x2] =	stream.linear.gather @!p1 [hbm4b:s15+s16], $0x1000, $0x38;
	[tilespmem:$0x4000] =	vst v63  }
0x29: {  	p1 =	sge.u32 s31, s8  }
.Ltmp2:
0x2a: {  	_ = 	snop;
	(pc) =	sbr.rel @p1 .LBB2_5-.Ltmp2, $1  }
0x2b: {  	_ =	sdelay $0x3  }
0x2c: {  	s14 =	simm.s32 $0x1  }
0x2d: {  	_ =	swait.ge [sflag:s7], $0x1000;
	s14 =	simm.s32 @!p0 $0x0  }
0x2e: {  	[sflag:s7] =	ssyncset.done $0x0;
	s14 =	sshll.u32 s14, $0xC  }
0x2f: {  	[sflag:s7] =	ssyncadd.s32 $0xFFFFF000;
	(ifvalue) =	ssetifvalue $0x7FFFFFFF;
	v0 =	vld.msk [tilespmem:s14+$0x0 ss:$0x1], $0xffff;
	_ =	sdelay $0x1  }
0x30: {  	s15 =	sadd.s32 $0x10, s14  }
0x31: {  	v3 =	vld.msk [tilespmem:s15+$0x0 ss:$0x1], $0xffff;
	_ =	sdelay $0x1  }
0x32: {  	v1 =	vshrl.u32 v0, $0x4  }
0x33: {  	vm1 =	veq.s32 v0, $0x80000000;
	v2 =	vand.u32 $0x3, v0;
	v0 =	vshll.u32 v0, $0x10  }
0x34: {  	v2 =	vsel vm1, $0xFFFFFFFF, v2;
	v0 =	vand.u32 $0xC0000, v0  }
0x35: {  	v1 =	vand.u32 $0xFFFF, v1;
	v62 =	vand.u32 $0x3, v3;
	v0 =	vsel vm1, $0xFFFC0000, v0  }
0x36: {  	v4 =	vand.u32 $0xFFFC0000, v2;
	v2 =	vshll.u32 v2, $0x7;
	v1 =	vsel vm1, $0xFFFFFFFF, v1  }
0x37: {  	vm1 =	veq.s32 v3, $0x80000000;
	v0 =	vadd.s32 v4, v0;
	v2 =	vand.u32 $0x180, v2  }
0x38: {  	v61 =	vand.u32 $0x7F, v1;
	v1 =	vshll.u32 v1, $0x2;
	v0 =	vor.u32 v2, v0  }
0x39: {  	v4 =	vsel vm1, $0xFFFFFFFF, v62;
	v1 =	vand.u32 $0xFFFFFE00, v1;
	v0 =	vor.u32 v61, v0  }
0x3a: {  	s17 =	sadd.s32 $0x10, s15;
	v2 =	vshrl.u32 v3, $0x4;
	v3 =	vshll.u32 v3, $0x10;
	v1 =	vadd.s32 v1, v0  }
0x3b: {  	v5 =	vand.u32 $0xFFFC0000, v4;
	v3 =	vand.u32 $0xC0000, v3;
	v0 =	vld.msk [tilespmem:s17+$0x0 ss:$0x1], $0xffff  }
0x3c: {  	v4 =	vshll.u32 v4, $0x7;
	v2 =	vand.u32 $0xFFFF, v2;
	v3 =	vsel vm1, $0xFFFC0000, v3  }
0x3d: {  	s31 =	sshll.u32 s12, $0xC;
	v4 =	vand.u32 $0x180, v4;
	v2 =	vsel vm1, $0xFFFFFFFF, v2;
	v3 =	vadd.s32 v5, v3  }
0x3e: {  	s14 =	sor.u32 $0x2000, s14;
	s15 =	sand.u32 $0x1000, s31;
	(ifvalue) =	ssetifvalue $0x7FFFFFFF;
	v63 =	vand.u32 $0x7F, v2;
	v2 =	vshll.u32 v2, $0x2;
	v3 =	vor.u32 v4, v3  }
0x3f: {  	v3 =	vor.u32 v63, v3;
	[tilespmem:s14], [sflag:$0x1] =	stream.indirect_vreg.gather [hbm4b:s2+s10], $0x1, v1, vm0, $0x4038;
	v1 =	vand.u32 $0xFFFFFE00, v2;
	[tilespmem:$0x4000] =	vst v63  }
0x40: {  	s16 =	simm.s32 $0x20;
	s15 =	sor.u32 $0x2000, s15;
	s17 =	sadd.s32 $0x10, s17;
	v2 =	vshrl.u32 v0, $0x4;
	v1 =	vadd.s32 v1, v3  }
.LBB2_3:
0x41: {  	vm1 =	veq.s32 v0, $0x80000000;
	v3 =	vand.u32 $0x3, v0;
	v4 =	vshll.u32 v0, $0x10;
	v0 =	vld.msk [tilespmem:s17+$0x0 ss:$0x1], $0xffff;
	s16 =	sadd.s32 $0x10, s16  }
0x42: {  	v2 =	vand.u32 $0xFFFF, v2;
	v3 =	vsel vm1, $0xFFFFFFFF, v3;
	v4 =	vand.u32 $0xC0000, v4;
	p1 =	slt.u32 s16, $0xFF0  }
.Ltmp3:
0x43: {  	v4 =	vsel vm1, $0xFFFC0000, v4;
	v5 =	vand.u32 $0xFFFC0000, v3;
	v3 =	vshll.u32 v3, $0x7;
	(pc) =	sbr.rel @p1 .LBB2_3-.Ltmp3, $4  }
0x44: {  	s14 =	sadd.s32 $0x10, s14;
	v2 =	vsel vm1, $0xFFFFFFFF, v2;
	v4 =	vadd.s32 v5, v4;
	v3 =	vand.u32 $0x180, v3;
	(ifvalue) =	ssetifvalue $0x7FFFFFFF  }
0x45: {  	v5 =	vand.u32 $0x7F, v2;
	v2 =	vshll.u32 v2, $0x2;
	v3 =	vor.u32 v3, v4;
	[tilespmem:s14], [sflag:$0x1] =	stream.indirect_vreg.gather [hbm4b:s2+s10], $0x1, v1, vm0, $0x4038;
	[tilespmem:$0x4000] =	vst v63  }
0x46: {  	v1 =	vand.u32 $0xFFFFFE00, v2;
	v3 =	vor.u32 v5, v3  }
0x47: {  	s17 =	sadd.s32 $0x10, s17;
	v2 =	vshrl.u32 v0, $0x4;
	v1 =	vadd.s32 v1, v3  }
.Ltmp4:
0x48: {  	_ = 	snop;
	(pc) =	sbr.rel .LBB2_4-.Ltmp4, $1  }
0x49: {  	_ =	sdelay $0x3  }
.LBB2_6:
0x4a: {  	_ =	sfence.sel $0x180000  }
0x4b: {  	s2 =	simm.s32 $0x2;
	[bflag:$0x0] =	sbarrier.arrive $0xFFFF  }
0x4c: {  	s30 =	simm.s32 $0x3;
	[sflag:s2] =	ssyncpa.u1 $0x1  }
0x4d: {  	s31 =	simm.s32 $0x1;
	[sflag:s30] =	ssyncpa.u1 $0x1  }
0x4e: {  	[sflag:s31] =	ssyncpa.u1 $0x1  }
0x4f: {  	p0 =	sne.s32 s0, $0x0;
	_ =	strace $0x9000004A  }
0x50: {  	s0 =	sadd.s32 @!p0 $0x100000, s1;
	[bflag:$0x2] =	sbarrier.arrive $0xFFFF  }
0x51: {  	[sflag:s0] =	ssyncadd.tile.s32 @!p0 $0x1;
	_ =	shalt  }
.Lfunc_end2:
_tile_overlayer_lowered:
.L_overlay_start_2:
0x52: {  	(tag) =	ssettag $0x2  }
0x53: {  	s0 =	rddreg [dreg:$0x0];
	s2 =	stileid.u32  }
0x54: {  	s1 =	rddreg [dreg:$0x1];
	p0 =	sne.s32 s2, $0x0  }
0x55: {  	s3 =	rddreg [dreg:$0x2];
	[bflag:$0x3] =	sbarrier.arrive $0xFFFF;
	s2 =	simm.s32 @!p0 $0x1C01  }
0x56: {  	[timem:s3], [sflag:s2] =	dma.local @!p0 [hbm:s0], s1  }
0x57: {  	s0 =	simm.s32 @!p0 $0x1  }
0x58: {  	_ =	swait.ge @!p0 [sflag:s0], s1  }
0x59: {  	s1 =	ssub.s32 @!p0 $0x0, s1;
	[sflag:s0] =	ssyncset.done @!p0 $0x0  }
0x5a: {  	[sflag:s0] =	ssyncadd.s32 @!p0 s1  }
0x5b: {  	[bflag:$0x3] =	sbarrier.arrive $0xFFFF  }
0x5c: {  	_ =	shalt  }

// kernel: sparse-core-data-format-call.cloned.1.call-start
scs
called_computation_lowered:
.L_overlay_start_0:
0x0: {  	s1 =	sld [smem:$0x3FD9]  }
0x1: {  	s2 =	sld [smem:$0x3FFE];
	_ =	sdelay $0x1  }
0x2: {  	s3 =	srdreg.scid  }
0x3: {  	s0 =	sand.u32 $0x1, s3  }
0x4: {  	s17 =	sshll.u32 s0, $0xA;
	s1 =	sadd.s32 s2, s1  }
0x5: {  	s1 =	sadd.s32 s1, s17  }
0x6: {  	[smem:$0x3FBB] =	sst s1  }
0x7: {  	_ = 	snop  }
0x8: {  	(tm) =	ssettm $0x1  }
0x9: {  	s18 =	sld [smem:$0x3FFB];
	_ =	sdelay $0x3  }
0xa: {  	_ =	strace s18  }
0xb: {  	s1 =	sld [smem:$0x3FFC];
	_ =	sdelay $0x3  }
0xc: {  	_ =	strace s1  }
0xd: {  	s1 =	sld [smem:$0x3FFD];
	_ =	sdelay $0x3  }
0xe: {  	_ =	strace s1  }
0xf: {  	_ =	strace $0x8FFFFFFF  }
0x10: {  	s19 =	sld [smem:$0x3FDB];
	_ =	sdelay $0x1  }
0x11: {  	s20 =	simm.s32 $_scs_section_size  }
0x12: {  	s4 =	simm.s32 $_size__tile_overlayer_lowered;
	s5 =	simm.s32 $_tile_overlayer_lowered  }
0x13: {  	s23 =	simm.s32 $0x1BFF;
	s22 =	sshll.u32 s5, $0x1;
	s1 =	sadd.s32 s20, s19  }
0x14: {  	s6 =	simm.s32 $0x0;
	s21 =	sshll.u32 s4, $0x1;
	s4 =	sadd.s32 s22, s1  }
0x15: {  	[timem:s6], [sflag:s23] =	dma.local [hbm:s4], s21  }
0x16: {  	_ =	swait.ge [sflag:s23], s21  }
0x17: {  	s2 =	ssub.s32 $0x0, s21;
	[sflag:s23] =	ssyncset.done $0x0  }
0x18: {  	[sflag:s23] =	ssyncadd.s32 s2;
	_ =	sdelay $0x1  }
0x19: {  	s24 =	simm.s32 $0x1B8B  }
0x1a: {  	_ =	swait.ge [sflag:s24], $0x1  }
0x1b: {  	[sflag:s24] =	ssyncset.done $0x0  }
0x1c: {  	s26 =	simm.s32 $0x1B8E;
	s25 =	sld [smem:$0x3FFE];
	[sflag:s24] =	ssyncadd.s32 $0xFFFFFFFF  }
0x1d: {  	s27 =	simm.s32 $execute0_lowered;
	[smem:$0x3FD2] =	sst s26  }
0x1e: {  	s4 =	sshll.u32 s27, $0x1;
	_ =	strace $0x80000046;
	[dreg:$0x1] =	wrdreg $0xFFFFFFFF  }
0x1f: {  	s28 =	simm.s32 $_size_execute0_lowered;
	s1 =	sadd.s32 s1, s4;
	[dreg:$0x0] =	wrdreg $0x0  }
0x20: {  	s4 =	sshll.u32 s28, $0x1;
	[dreg:$0x2] =	wrdreg s1  }
0x21: {  	[dreg:$0x3] =	wrdreg s4  }
0x22: {  	[dreg:$0x4] =	wrdreg $0xC0  }
0x23: {  	_ =	task [dreg:s6], $0x5FFFF  }
0x24: {  	[dreg:$0x1] =	wrdreg $0xFFFFFFFF  }
0x25: {  	[dreg:$0x0] =	wrdreg $0x60  }
0x26: {  	[dreg:$0x2] =	wrdreg s25  }
0x27: {  	[dreg:$0x3] =	wrdreg $0x9  }
0x28: {  	_ =	task.clear_ibuf [dreg:s6], $0x4FFFF;
	_ =	strace $0x90000046  }
0x29: {  	s29 =	simm.s32 $0x9;
	_ =	strace $0x80000048  }
0x2a: {  	_ =	swait.ge [sflag:s29], $0x1  }
0x2b: {  	[sflag:s29] =	ssyncadd.s32 $0xFFFFFFFF  }
0x2c: {  	_ =	strace $0x90000048  }
0x2d: {  	_ =	sfence  }
0x2e: {  	s30 =	sld [smem:$0x0];
	_ =	sdelay $0x2  }
0x2f: {  	s31 =	sshll.u32 s3, $0xD;
	s3 =	sshrl.u32 s3, $0x2  }
0x30: {  	s2 =	sand.u32 $0x4000, s31;
	s1 =	sadd.s32 s3, s30  }
0x31: {  	s0 =	sor.u32 s2, s0;
	s1 =	sshll.u32 s1, $0x11  }
0x32: {  	s0 =	sor.u32 s1, s0  }
0x33: {  	s0 =	sadd.s32 $0x8F2B, s0  }
0x34: {  	[sflag:s0] =	ssyncadd.remote.s32 $0x1  }
0x35: {  	_ =	sfence.sel $0xFFFF  }
0x36: {  	[dreg:$0x0] =	wrdreg $0xFFFFFFFF;
	(pc) =	sbr.abs _section_cstart, $3  }
0x37: {  	[dreg:$0x1] =	wrdreg $0xFFFFFFFF  }
0x38: {  	_ =	task.clear_ibuf [dreg:s6], $0x2FFFF;
	_ =	strace $0x9FFFFFFF  }
0x39: {  	(tm) =	ssettm $0x7FFFFFFF  }
tec
execute0_lowered:
.L_overlay_start_1:
0x0: {  	(tag) =	ssettag $0x1  }
0x1: {  	s0 =	stileid.u32  }
0x2: {  	s1 =	srdreg.scid;
	s7 =	rddreg [dreg:$0x0]  }
0x3: {  	s9 =	simm.s32 $0x2;
	s17 =	simm.s32 $0x0;
	s10 =	simm.s32 $0x800  }
0x4: {  	s15 =	simm.s32 $0x0;
	s2 =	sshll.u32 s0, $0x4;
	s1 =	sshll.u32 s1, $0x8  }
0x5: {  	s16 =	simm.s32 $0x0;
	s3 =	sshll.u32 s0, $0x5;
	s1 =	sor.u32 s2, s1  }
0x6: {  	s14 =	simm.s32 $0x0;
	s2 =	sand.u32 $0x80, s3;
	s3 =	sand.u32 $0x180, s1  }
0x7: {  	s4 =	ssub.s32 $0x100, s2;
	s1 =	rddreg [dreg:$0x1];
	_ =	strace $0x80000047  }
0x8: {  	s12 =	smov.u32 s2;
	s5 =	ssub.s32 $0x10000, s3;
	s6 =	sshrl.u32 s4, $0x8  }
0x9: {  	s4 =	sshrl.u32 s4, $0x7;
	s11 =	smov.u32 s3;
	s8 =	sand.u32 $0x180, s5  }
0xa: {  	s4 =	sand.u32 $0x1, s4;
	p0 =	sne.s32 s8, $0x0;
	s8 =	simm.s32 $0x1  }
.Ltmp0:
0xb: {  	s5 =	sshrl.u32 s5, $0x9;
	s8 =	simm.s32 @!p0 $0x0;
	(pc) =	sbr.rel .LBB1_1-.Ltmp0, $4  }
0xc: {  	s6 =	sadd.s32 s6, s4;
	s4 =	sadd.s32 $0x4400, s7;
	s8 =	sadd.s32 s8, s5  }
0xd: {  	s7 =	sadd.s32 $0x804400, s7;
	s5 =	simm.s32 $0x1;
	s6 =	smul.u32 s6, s8  }
0xe: {  	p0 =	por $0x0, $0x0;
	[sflag:s5] =	ssyncpa.u1 $0x0;
	s8 =	sand.u32 $0x3, s0  }
0xf: {  	[sflag:s9] =	ssyncpa.u1 $0x0;
	s13 =	smov.u32 s8;
	s9 =	sadd.s32 $0x1, s6  }
.LBB1_4:
0x10: {  	v5 =	vld [tilespmem:s21+$0xFFFFFFD0]  }
0x11: {  	[tilespmem:s19+$0x2040 ss:$0x81] =	vst.msk $0xffff, v1;
	v58 =	vld [tilespmem:s21+$0xFFFFFFE0]  }
0x12: {  	[tilespmem:s19+$0x2850 ss:$0x81] =	vst.msk $0xffff, v2;
	v59 =	vld [tilespmem:s21+$0xFFFFFFF0]  }
0x13: {  	s22 =	sshra.s32 s22, $0x2;
	[tilespmem:s19+$0x3060 ss:$0x81] =	vst.msk $0xffff, v3;
	v60 =	vld [tilespmem:s21+$0x0]  }
0x14: {  	v61 =	vld [tilespmem:s21+$0x10];
	[tilespmem:s19+$0x0 ss:$0x81] =	vst.msk $0xffff, v0;
	s20 =	sadd.s32 s22, s20  }
0x15: {  	s25 =	sshll.u32 s17, $0x8;
	v62 =	vld [tilespmem:s21+$0x20];
	[tilespmem:s20+$0x3870 ss:$0x81] =	vst.msk $0xffff, v4  }
0x16: {  	s23 =	sshll.u32 s15, $0x3;
	v63 =	vld [tilespmem:s21+$0xFFFFFFC0];
	s30 =	sand.u32 $0x78, s15;
	s16 =	sshll.u32 s16, $0x15;
	[tilespmem:s20+$0x810 ss:$0x81] =	vst.msk $0xffff, v5  }
0x17: {  	s28 =	sshll.u32 s17, $0x7;
	s26 =	sand.u32 $0xFFF800, s25;
	s27 =	sand.u32 $0xFFFC00, s23;
	[tilespmem:s20+$0x1020 ss:$0x81] =	vst.msk $0xffff, v58  }
0x18: {  	s29 =	sand.u32 $0x300, s28;
	s17 =	sand.u32 $0x80, s28;
	s19 =	sadd.s32 s27, s26;
	[tilespmem:s20+$0x1830 ss:$0x81] =	vst.msk $0xffff, v59  }
0x19: {  	s31 =	sand.u32 $0x7, s15;
	s17 =	sor.u32 s30, s17;
	s19 =	sor.u32 s29, s19;
	[tilespmem:s20+$0x2040 ss:$0x81] =	vst.msk $0xffff, v60  }
0x1a: {  	s16 =	sadd.s32 s7, s16;
	s17 =	sshrl.u32 s17, $0x3;
	s19 =	sshrl.u32 s19, $0x3;
	[tilespmem:s20+$0x2850 ss:$0x81] =	vst.msk $0xffff, v61  }
0x1b: {  	s15 =	sshll.u32 s31, $0x12;
	s16 =	sadd.s32 s17, s16;
	[tilespmem:s20+$0x3060 ss:$0x81] =	vst.msk $0xffff, v62;
	s19 =	sand.u32 $0x1FFFE0, s19  }
0x1c: {  	s15 =	sor.u32 $0x400, s15;
	[tilespmem:s20+$0x0 ss:$0x81] =	vst.msk $0xffff, v63;
	s16 =	sadd.s32 s19, s16  }
0x1d: {  	[hbm4b:s16+s15] =	stream.strided.scatter [tilespmem:s18], [sflag:$0x2], $0x4000, s10, s15, $0x20;
	[tilespmem:$0x10100] =	vst v63  }
.LBB1_5:
0x1e: {  	s18 =	sadd.s32 $0x200, s11  }
0x1f: {  	s15 =	sadd.s32 $0x100, s12;
	s19 =	smov.u32 s12;
	p2 =	sgt.s32 s18, $0xFFFF  }
0x20: {  	s19 =	smov.u32 @p2 s15  }
0x21: {  	s21 =	smov.u32 s13;
	s15 =	sadd.s32 $0x4, s13;
	p3 =	sgt.s32 s19, $0xFF  }
0x22: {  	s21 =	smov.u32 @p3 s15  }
0x23: {  	s18 =	smov.u32 @p2 s3;
	p2 =	sgt.s32 s21, $0x3  }
0x24: {  	p1 =	slt.u32 s14, $0x2;
	s21 =	smov.u32 @p2 s8;
	p2 =	sne.s32 s14, s9  }
.Ltmp1:
0x25: {  	s20 =	simm.s32 @!p1 $0x2;
	(pc) =	sbr.rel @!p2 .LBB1_6-.Ltmp1, $4  }
0x26: {  	s17 =	smov.u32 s11;
	s16 =	smov.u32 s13;
	_ =	swait.ge @!p1 [sflag:s20], $0x4000  }
0x27: {  	p0 =	por !p0, !p0;
	[sflag:s20] =	ssyncset.done @!p1 $0x0;
	s11 =	smov.u32 s18  }
0x28: {  	s19 =	smov.u32 @p3 s2;
	s15 =	smov.u32 s12;
	[sflag:s20] =	ssyncadd.s32 @!p1 $0xFFFFC000  }
0x29: {  	s12 =	smov.u32 s19;
	s14 =	sadd.s32 $0x1, s14;
	s13 =	smov.u32 s21  }
.LBB1_1:
0x2a: {  	p1 =	sge.u32 s14, s6;
	s31 =	sadd.s32 $0xFFFFFFFF, s14  }
0x2b: {  	s18 =	sxor.u32 @!p1 $0xFFFFFFFF, s14;
	s19 =	sand.u32 @!p1 $0x78, s11;
	s20 =	sshll.u32 @!p1 s12, $0x10  }
0x2c: {  	s21 =	sshll.u32 @!p1 s12, $0x7;
	s22 =	sshll.u32 @!p1 s11, $0x3;
	s18 =	sshll.u32 @!p1 s18, $0xE  }
0x2d: {  	s20 =	sand.u32 @!p1 $0xF80000, s20;
	s21 =	sand.u32 @!p1 $0x380, s21;
	s18 =	sand.u32 @!p1 $0x4000, s18  }
0x2e: {  	s20 =	sadd.s32 @!p1 s20, s22;
	s22 =	sand.u32 @!p1 $0xFC00, s22;
	s19 =	sor.u32 @!p1 s21, s19  }
0x2f: {  	s21 =	sshll.u32 @!p1 s13, $0x15;
	s19 =	sor.u32 @!p1 s22, s19;
	s20 =	sshrl.u32 @!p1 s20, $0x3  }
0x30: {  	s21 =	sadd.s32 @!p1 s4, s21;
	s22 =	sand.u32 @!p1 $0x7, s11;
	s20 =	sand.u32 @!p1 $0x1FE000, s20  }
0x31: {  	s19 =	sshrl.u32 @!p1 s19, $0x3;
	s20 =	sadd.s32 @!p1 s20, s21;
	s21 =	sshll.u32 @!p1 s22, $0x12  }
0x32: {  	s19 =	sadd.s32 @!p1 s19, s20;
	s20 =	sor.u32 @!p1 $0x400, s21;
	s21 =	simm.s32 @!p1 $0x80000  }
0x33: {  	[tilespmem:s18], [sflag:$0x1] =	stream.strided.gather @!p1 [hbm4b:s19+s20], $0x4000, s21, s20, $0x38;
	[tilespmem:$0x10100] =	vst v63  }
0x34: {  	p1 =	sge.u32 s31, s6  }
.Ltmp2:
0x35: {  	_ = 	snop;
	(pc) =	sbr.rel @p1 .LBB1_5-.Ltmp2, $1  }
0x36: {  	_ =	sdelay $0x3  }
0x37: {  	s18 =	simm.s32 $0x1  }
0x38: {  	_ =	swait.ge [sflag:s5], $0x4000;
	s18 =	simm.s32 @!p0 $0x0  }
0x39: {  	[sflag:s5] =	ssyncset.done $0x0;
	s19 =	sshll.u32 s18, $0xE  }
0x3a: {  	[sflag:s5] =	ssyncadd.s32 $0xFFFFC000;
	s21 =	sor.u32 $0x40, s19  }
0x3b: {  	s18 =	smul.u32 $0x10200, s18;
	v0 =	vld [tilespmem:s21+$0x30]  }
0x3c: {  	v3 =	vld [tilespmem:s21+$0xFFFFFFD0]  }
0x3d: {  	s18 =	sshrl.u32 s18, $0x2;
	v4 =	vld [tilespmem:s21+$0xFFFFFFE0]  }
0x3e: {  	v5 =	vld [tilespmem:s21+$0xFFFFFFF0];
	s20 =	sor.u32 $0x8000, s18  }
0x3f: {  	s31 =	sand.u32 $0x1, s14;
	v1 =	vld [tilespmem:s21+$0x0];
	s19 =	sadd.s32 $0x0, s20  }
0x40: {  	v2 =	vld [tilespmem:s21+$0x10];
	s18 =	smul.u32 $0x10200, s31;
	[tilespmem:s19+$0x3870 ss:$0x81] =	vst.msk $0xffff, v0  }
0x41: {  	[tilespmem:s19+$0x810 ss:$0x81] =	vst.msk $0xffff, v3;
	v3 =	vld [tilespmem:s21+$0x20]  }
0x42: {  	s18 =	sshrl.u32 s18, $0x2;
	v0 =	vld [tilespmem:s21+$0xFFFFFFC0];
	[tilespmem:s19+$0x1020 ss:$0x81] =	vst.msk $0xffff, v4;
	s21 =	sadd.s32 $0x80, s21  }
0x43: {  	s22 =	simm.s32 $0x4;
	s23 =	simm.s32 $0x8;
	s18 =	sor.u32 $0x8000, s18;
	[tilespmem:s19+$0x1830 ss:$0x81] =	vst.msk $0xffff, v5;
	v4 =	vld [tilespmem:s21+$0x30]  }
.LBB1_3:
0x44: {  	p1 =	sne.s32 s23, $0x1FC;
	v5 =	vld [tilespmem:s21+$0xFFFFFFD0];
	[tilespmem:s19+$0x2040 ss:$0x81] =	vst.msk $0xffff, v1  }
0x45: {  	v6 =	vld [tilespmem:s21+$0xFFFFFFE0];
	[tilespmem:s19+$0x2850 ss:$0x81] =	vst.msk $0xffff, v2  }
0x46: {  	s24 =	sshra.s32 s22, $0x2;
	s22 =	smov.u32 s23;
	v7 =	vld [tilespmem:s21+$0xFFFFFFF0];
	[tilespmem:s19+$0x3060 ss:$0x81] =	vst.msk $0xffff, v3  }
.Ltmp3:
0x47: {  	v1 =	vld [tilespmem:s21+$0x0];
	[tilespmem:s19+$0x0 ss:$0x81] =	vst.msk $0xffff, v0;
	s19 =	sadd.s32 s24, s20;
	(pc) =	sbr.rel @p1 .LBB1_3-.Ltmp3, $4  }
0x48: {  	v2 =	vld [tilespmem:s21+$0x10];
	[tilespmem:s19+$0x3870 ss:$0x81] =	vst.msk $0xffff, v4  }
0x49: {  	[tilespmem:s19+$0x810 ss:$0x81] =	vst.msk $0xffff, v5;
	v3 =	vld [tilespmem:s21+$0x20]  }
0x4a: {  	v0 =	vld [tilespmem:s21+$0xFFFFFFC0];
	[tilespmem:s19+$0x1020 ss:$0x81] =	vst.msk $0xffff, v6;
	s21 =	sadd.s32 $0x80, s21  }
0x4b: {  	s23 =	sadd.s32 $0x4, s23;
	v4 =	vld [tilespmem:s21+$0x30];
	[tilespmem:s19+$0x1830 ss:$0x81] =	vst.msk $0xffff, v7  }
.Ltmp4:
0x4c: {  	_ = 	snop;
	(pc) =	sbr.rel .LBB1_4-.Ltmp4, $1  }
0x4d: {  	_ =	sdelay $0x3  }
.LBB1_6:
0x4e: {  	_ =	sfence.sel $0x180000  }
0x4f: {  	s2 =	simm.s32 $0x1;
	[bflag:$0x0] =	sbarrier.arrive $0xFFFF  }
0x50: {  	s31 =	simm.s32 $0x2;
	[sflag:s2] =	ssyncpa.u1 $0x1  }
0x51: {  	[sflag:s31] =	ssyncpa.u1 $0x1  }
0x52: {  	p0 =	sne.s32 s0, $0x0;
	_ =	strace $0x90000047  }
0x53: {  	s0 =	sadd.s32 @!p0 $0x100000, s1;
	[bflag:$0x2] =	sbarrier.arrive $0xFFFF  }
0x54: {  	[sflag:s0] =	ssyncadd.tile.s32 @!p0 $0x1;
	_ =	shalt  }
.Lfunc_end1:
_tile_overlayer_lowered:
.L_overlay_start_2:
0x55: {  	(tag) =	ssettag $0x2  }
0x56: {  	s0 =	rddreg [dreg:$0x0];
	s2 =	stileid.u32  }
0x57: {  	s1 =	rddreg [dreg:$0x1];
	p0 =	sne.s32 s2, $0x0  }
0x58: {  	s3 =	rddreg [dreg:$0x2];
	[bflag:$0x3] =	sbarrier.arrive $0xFFFF;
	s2 =	simm.s32 @!p0 $0x1C01  }
0x59: {  	[timem:s3], [sflag:s2] =	dma.local @!p0 [hbm:s0], s1  }
0x5a: {  	s0 =	simm.s32 @!p0 $0x1  }
0x5b: {  	_ =	swait.ge @!p0 [sflag:s0], s1  }
0x5c: {  	s1 =	ssub.s32 @!p0 $0x0, s1;
	[sflag:s0] =	ssyncset.done @!p0 $0x0  }
0x5d: {  	[sflag:s0] =	ssyncadd.s32 @!p0 s1  }
0x5e: {  	[bflag:$0x3] =	sbarrier.arrive $0xFFFF  }
0x5f: {  	_ =	shalt  }

</sc_bundles>
